<compile_context>
chip_gen: v7x
topology: tpu7x:2x2x1
jax: 0.10.2.dev20260603
libtpu: 0.0.44.dev20260713+nightly
codegen_flags: <defaults>
</compile_context>

<pallas_src>
import functools

import jax
import jax.numpy as jnp
from jax import lax
from jax.experimental import pallas as pl
from jax.experimental.pallas import tpu as pltpu
from jax.experimental.pallas import tpu_sc as plsc

B = 1024
N = 200
K = 50
D = 128

NC = 2
NS = 16
NW = NC * NS
ROWS = B * K
RPW = ROWS // NW
CH = 128
NCHF = RPW // CH
TAIL = RPW - NCHF * CH
NCH = NCHF + 1
NBUF = 7


def _build_sc_gather():
    mesh = plsc.VectorSubcoreMesh(core_axis_name="c", subcore_axis_name="s")

    @functools.partial(
        pl.kernel,
        mesh=mesh,
        out_type=jax.ShapeDtypeStruct((K * B, D), jnp.float32),
        scratch_types=[
            pltpu.VMEM((NCH, CH), jnp.int32),
        ] + [pltpu.VMEM((CH, D), jnp.float32) for _ in range(NBUF)]
          + [pltpu.SemaphoreType.DMA for _ in range(2 * NBUF)],
    )
    def sc_gather(table_hbm, gid_hbm, out_hbm, gid_v, *bufs_and_sems):
        bufs = bufs_and_sems[:NBUF]
        gsems = bufs_and_sems[NBUF:2 * NBUF]
        wsems = bufs_and_sems[2 * NBUF:]
        wid = lax.axis_index("s") * NC + lax.axis_index("c")
        base = wid * RPW

        pltpu.sync_copy(gid_hbm.at[wid], gid_v)

        gh = [None] * NBUF
        wh = [None] * NBUF
        for j in range(min(NBUF, NCH)):
            gh[j] = pltpu.async_copy(
                table_hbm.at[gid_v.at[j]], bufs[j], gsems[j])
        for j in range(NCH):
            b = j % NBUF
            wlen = CH if j < NCHF else TAIL
            gh[b].wait()
            wh[b] = pltpu.async_copy(
                bufs[b].at[pl.ds(0, wlen)],
                out_hbm.at[pl.ds(base + j * CH, wlen)], wsems[b])
            nj = j + NBUF
            if nj < NCH:
                wh[b].wait()
                gh[b] = pltpu.async_copy(
                    table_hbm.at[gid_v.at[nj]], bufs[b], gsems[b])
        for j in range(max(0, NCH - NBUF), NCH):
            wh[j % NBUF].wait()

    return sc_gather


_sc_gather = _build_sc_gather()


def kernel(input_tensor, indices):
    table = input_tensor.reshape(B * N, D)
    idx = indices.astype(jnp.int32)
    off = (jnp.arange(B, dtype=jnp.int32) * N)[:, None]
    ids = (idx + off).T.reshape(NW, RPW)
    tail = ids[:, NCHF * CH:]
    gid = jnp.concatenate(
        [ids[:, :NCHF * CH].reshape(NW, NCHF, CH),
         jnp.concatenate([tail, tail], axis=1)[:, None, :]], axis=1)
    out = _sc_gather(table, gid)
    return out.reshape(K, B, D).transpose(1, 0, 2)

# --- scband reference (transcript-rebuilt; emitter-appended) ---
"""Pipeline reference for scband-gather-19430432047289 (READ-ONLY COPY).

The authoritative reference and input builder live on the scoring server;
editing this copy changes nothing except your own understanding.
"""

import jax, jax.numpy as jnp
import numpy as np

AXIS = 1

def setup_inputs(seed: int = 0) -> dict:
    key = jax.random.key(seed)
    k1, k2 = jax.random.split(key)
    input_tensor = jax.random.normal(k1, (1024, 200, 128), dtype=jnp.float32)
    indices = jax.random.randint(k2, (1024, 50), 0, 200, dtype=jnp.int64)
    return {"input_tensor": input_tensor, "indices": indices}

def reference(input_tensor, indices):
    # Batched gather along axis=1: out[b, k, :] = input_tensor[b, indices[b, k], :]
    # Equivalent to stacking per-batch torch.index_select along the batchless axis.
    idx = indices.astype(jnp.int32)
    # Expand indices to broadcast over trailing dims after the gather axis.
    expand_shape = idx.shape + (1,) * (input_tensor.ndim - 2)
    idx_exp = idx.reshape(expand_shape)
    out = jnp.take_along_axis(input_tensor, idx_exp, axis=AXIS)
    return out

if __name__ == "__main__":
    import jax
    _d = setup_inputs()
    print(jax.jit(kernel)(*tuple(_d.values())))

</pallas_src>

<mosaic_0001>
#map = affine_map<(d0, d1) -> (0, 0)>
#map1 = affine_map<(d0, d1) -> (0, 0, 0)>
module attributes {stable_mosaic.version = 14 : i64} {
  func.func @sc_gather(%arg0: i32, %arg1: i32, %arg2: memref<204800x128xf32, #tpu.memory_space<hbm>>, %arg3: memref<32x13x128xi32, #tpu.memory_space<hbm>>, %arg4: memref<51200x128xf32, #tpu.memory_space<hbm>>, %arg5: memref<13x128xi32, #tpu.memory_space<vmem>>, %arg6: memref<128x128xf32, #tpu.memory_space<vmem>>, %arg7: memref<128x128xf32, #tpu.memory_space<vmem>>, %arg8: memref<128x128xf32, #tpu.memory_space<vmem>>, %arg9: memref<128x128xf32, #tpu.memory_space<vmem>>, %arg10: memref<128x128xf32, #tpu.memory_space<vmem>>, %arg11: memref<128x128xf32, #tpu.memory_space<vmem>>, %arg12: memref<128x128xf32, #tpu.memory_space<vmem>>, %arg13: memref<!tpu.dma_semaphore, #tpu.memory_space<semaphore_mem>>, %arg14: memref<!tpu.dma_semaphore, #tpu.memory_space<semaphore_mem>>, %arg15: memref<!tpu.dma_semaphore, #tpu.memory_space<semaphore_mem>>, %arg16: memref<!tpu.dma_semaphore, #tpu.memory_space<semaphore_mem>>, %arg17: memref<!tpu.dma_semaphore, #tpu.memory_space<semaphore_mem>>, %arg18: memref<!tpu.dma_semaphore, #tpu.memory_space<semaphore_mem>>, %arg19: memref<!tpu.dma_semaphore, #tpu.memory_space<semaphore_mem>>, %arg20: memref<!tpu.dma_semaphore, #tpu.memory_space<semaphore_mem>>, %arg21: memref<!tpu.dma_semaphore, #tpu.memory_space<semaphore_mem>>, %arg22: memref<!tpu.dma_semaphore, #tpu.memory_space<semaphore_mem>>, %arg23: memref<!tpu.dma_semaphore, #tpu.memory_space<semaphore_mem>>, %arg24: memref<!tpu.dma_semaphore, #tpu.memory_space<semaphore_mem>>, %arg25: memref<!tpu.dma_semaphore, #tpu.memory_space<semaphore_mem>>, %arg26: memref<!tpu.dma_semaphore, #tpu.memory_space<semaphore_mem>>) attributes {dimension_semantics = [#tpu.dimension_semantics<core_parallel>, #tpu.dimension_semantics<subcore_parallel>], iteration_bounds = array<i64: 2, 16>, scalar_prefetch = 0 : i64, scratch_operands = 22 : i64, tpu.core_type = #tpu.core_type<sc_vector_subcore>, window_params = [{transform_indices = #map}, {transform_indices = #map1}, {transform_indices = #map}]} {
    %mul3A = arith.constant 2 : i32
    %mul3A_0 = arith.muli %arg1, %mul3A : i32
    %add3A = arith.addi %mul3A_0, %arg0 : i32
    %mul3A_1 = arith.constant 1600 : i32
    %mul3A_2 = arith.muli %add3A, %mul3A_1 : i32
    "tpu.region"() ({
      %run_scoped3A = tpu.sem_alloc : memref<!tpu.dma_semaphore, #tpu.memory_space<semaphore_mem>>
      %dma_start3A_469 = arith.constant 0 : i32
      %dma_start3A_470 = arith.constant 0 : i32
      %dma_start3A_471 = tpu.memref_slice %arg3[%add3A, %dma_start3A_469, %dma_start3A_470] : memref<32x13x128xi32, #tpu.memory_space<hbm>> -> memref<1x13x128xi32, #tpu.memory_space<hbm>>
      %dma_start3A_472 = tpu.memref_squeeze %dma_start3A_471 : memref<1x13x128xi32, #tpu.memory_space<hbm>> -> memref<13x128xi32, #tpu.memory_space<hbm>>
      %dma_start3A_473 = arith.constant 0 : i32
      %dma_start3A_474 = arith.constant 0 : i32
      %dma_start3A_475 = tpu.memref_slice %arg3[%add3A, %dma_start3A_473, %dma_start3A_474] : memref<32x13x128xi32, #tpu.memory_space<hbm>> -> memref<1x13x128xi32, #tpu.memory_space<hbm>>
      %dma_start3A_476 = tpu.memref_squeeze %dma_start3A_475 : memref<1x13x128xi32, #tpu.memory_space<hbm>> -> memref<13x128xi32, #tpu.memory_space<hbm>>
      tpu.enqueue_dma source(%dma_start3A_476 : memref<13x128xi32, #tpu.memory_space<hbm>>) target(%arg5 : memref<13x128xi32, #tpu.memory_space<vmem>>) target_semaphore(%run_scoped3A : memref<!tpu.dma_semaphore, #tpu.memory_space<semaphore_mem>>)
      %dma_wait3A_477 = arith.constant 0 : i32
      %dma_wait3A_478 = arith.constant 0 : i32
      %dma_wait3A_479 = tpu.memref_slice %arg3[%add3A, %dma_wait3A_477, %dma_wait3A_478] : memref<32x13x128xi32, #tpu.memory_space<hbm>> -> memref<1x13x128xi32, #tpu.memory_space<hbm>>
      %dma_wait3A_480 = tpu.memref_squeeze %dma_wait3A_479 : memref<1x13x128xi32, #tpu.memory_space<hbm>> -> memref<13x128xi32, #tpu.memory_space<hbm>>
      %dma_wait3A_481 = arith.constant 0 : i32
      %dma_wait3A_482 = arith.constant 0 : i32
      %dma_wait3A_483 = tpu.memref_slice %arg3[%add3A, %dma_wait3A_481, %dma_wait3A_482] : memref<32x13x128xi32, #tpu.memory_space<hbm>> -> memref<1x13x128xi32, #tpu.memory_space<hbm>>
      %dma_wait3A_484 = tpu.memref_squeeze %dma_wait3A_483 : memref<1x13x128xi32, #tpu.memory_space<hbm>> -> memref<13x128xi32, #tpu.memory_space<hbm>>
      tpu.wait_dma2 semaphore(%run_scoped3A : memref<!tpu.dma_semaphore, #tpu.memory_space<semaphore_mem>>) src(%dma_wait3A_484 : memref<13x128xi32, #tpu.memory_space<hbm>>) dst(%arg5 : memref<13x128xi32, #tpu.memory_space<vmem>>)
      tpu.yield
    }) : () -> ()
    %dma_start3A = arith.constant 0 : i32
    %dma_start3A_3 = arith.constant 0 : i32
    %dma_start3A_4 = tpu.memref_slice %arg5[%dma_start3A, %dma_start3A_3] : memref<13x128xi32, #tpu.memory_space<vmem>> -> memref<1x128xi32, #tpu.memory_space<vmem>>
    %dma_start3A_5 = tpu.memref_squeeze %dma_start3A_4 : memref<1x128xi32, #tpu.memory_space<vmem>> -> memref<128xi32, #tpu.memory_space<vmem>>
    %dma_start3A_6 = arith.constant 0 : i32
    %dma_start3A_7 = arith.constant 0 : i32
    %dma_start3A_8 = tpu.memref_slice %arg2[%dma_start3A_6, %dma_start3A_7] : memref<204800x128xf32, #tpu.memory_space<hbm>> -> memref<204800x128xf32, #tpu.memory_space<hbm>>
    tpu.enqueue_indirect_dma source(%dma_start3A_8 : memref<204800x128xf32, #tpu.memory_space<hbm>>) target(%arg6 : memref<128x128xf32, #tpu.memory_space<vmem>>) offsets(%dma_start3A_5 : memref<128xi32, #tpu.memory_space<vmem>>) semaphore(%arg13 : memref<!tpu.dma_semaphore, #tpu.memory_space<semaphore_mem>>)
    %dma_start3A_9 = arith.constant 1 : i32
    %dma_start3A_10 = arith.constant 0 : i32
    %dma_start3A_11 = tpu.memref_slice %arg5[%dma_start3A_9, %dma_start3A_10] : memref<13x128xi32, #tpu.memory_space<vmem>> -> memref<1x128xi32, #tpu.memory_space<vmem>>
    %dma_start3A_12 = tpu.memref_squeeze %dma_start3A_11 : memref<1x128xi32, #tpu.memory_space<vmem>> -> memref<128xi32, #tpu.memory_space<vmem>>
    %dma_start3A_13 = arith.constant 0 : i32
    %dma_start3A_14 = arith.constant 0 : i32
    %dma_start3A_15 = tpu.memref_slice %arg2[%dma_start3A_13, %dma_start3A_14] : memref<204800x128xf32, #tpu.memory_space<hbm>> -> memref<204800x128xf32, #tpu.memory_space<hbm>>
    tpu.enqueue_indirect_dma source(%dma_start3A_15 : memref<204800x128xf32, #tpu.memory_space<hbm>>) target(%arg7 : memref<128x128xf32, #tpu.memory_space<vmem>>) offsets(%dma_start3A_12 : memref<128xi32, #tpu.memory_space<vmem>>) semaphore(%arg14 : memref<!tpu.dma_semaphore, #tpu.memory_space<semaphore_mem>>)
    %dma_start3A_16 = arith.constant 2 : i32
    %dma_start3A_17 = arith.constant 0 : i32
    %dma_start3A_18 = tpu.memref_slice %arg5[%dma_start3A_16, %dma_start3A_17] : memref<13x128xi32, #tpu.memory_space<vmem>> -> memref<1x128xi32, #tpu.memory_space<vmem>>
    %dma_start3A_19 = tpu.memref_squeeze %dma_start3A_18 : memref<1x128xi32, #tpu.memory_space<vmem>> -> memref<128xi32, #tpu.memory_space<vmem>>
    %dma_start3A_20 = arith.constant 0 : i32
    %dma_start3A_21 = arith.constant 0 : i32
    %dma_start3A_22 = tpu.memref_slice %arg2[%dma_start3A_20, %dma_start3A_21] : memref<204800x128xf32, #tpu.memory_space<hbm>> -> memref<204800x128xf32, #tpu.memory_space<hbm>>
    tpu.enqueue_indirect_dma source(%dma_start3A_22 : memref<204800x128xf32, #tpu.memory_space<hbm>>) target(%arg8 : memref<128x128xf32, #tpu.memory_space<vmem>>) offsets(%dma_start3A_19 : memref<128xi32, #tpu.memory_space<vmem>>) semaphore(%arg15 : memref<!tpu.dma_semaphore, #tpu.memory_space<semaphore_mem>>)
    %dma_start3A_23 = arith.constant 3 : i32
    %dma_start3A_24 = arith.constant 0 : i32
    %dma_start3A_25 = tpu.memref_slice %arg5[%dma_start3A_23, %dma_start3A_24] : memref<13x128xi32, #tpu.memory_space<vmem>> -> memref<1x128xi32, #tpu.memory_space<vmem>>
    %dma_start3A_26 = tpu.memref_squeeze %dma_start3A_25 : memref<1x128xi32, #tpu.memory_space<vmem>> -> memref<128xi32, #tpu.memory_space<vmem>>
    %dma_start3A_27 = arith.constant 0 : i32
    %dma_start3A_28 = arith.constant 0 : i32
    %dma_start3A_29 = tpu.memref_slice %arg2[%dma_start3A_27, %dma_start3A_28] : memref<204800x128xf32, #tpu.memory_space<hbm>> -> memref<204800x128xf32, #tpu.memory_space<hbm>>
    tpu.enqueue_indirect_dma source(%dma_start3A_29 : memref<204800x128xf32, #tpu.memory_space<hbm>>) target(%arg9 : memref<128x128xf32, #tpu.memory_space<vmem>>) offsets(%dma_start3A_26 : memref<128xi32, #tpu.memory_space<vmem>>) semaphore(%arg16 : memref<!tpu.dma_semaphore, #tpu.memory_space<semaphore_mem>>)
    %dma_start3A_30 = arith.constant 4 : i32
    %dma_start3A_31 = arith.constant 0 : i32
    %dma_start3A_32 = tpu.memref_slice %arg5[%dma_start3A_30, %dma_start3A_31] : memref<13x128xi32, #tpu.memory_space<vmem>> -> memref<1x128xi32, #tpu.memory_space<vmem>>
    %dma_start3A_33 = tpu.memref_squeeze %dma_start3A_32 : memref<1x128xi32, #tpu.memory_space<vmem>> -> memref<128xi32, #tpu.memory_space<vmem>>
    %dma_start3A_34 = arith.constant 0 : i32
    %dma_start3A_35 = arith.constant 0 : i32
    %dma_start3A_36 = tpu.memref_slice %arg2[%dma_start3A_34, %dma_start3A_35] : memref<204800x128xf32, #tpu.memory_space<hbm>> -> memref<204800x128xf32, #tpu.memory_space<hbm>>
    tpu.enqueue_indirect_dma source(%dma_start3A_36 : memref<204800x128xf32, #tpu.memory_space<hbm>>) target(%arg10 : memref<128x128xf32, #tpu.memory_space<vmem>>) offsets(%dma_start3A_33 : memref<128xi32, #tpu.memory_space<vmem>>) semaphore(%arg17 : memref<!tpu.dma_semaphore, #tpu.memory_space<semaphore_mem>>)
    %dma_start3A_37 = arith.constant 5 : i32
    %dma_start3A_38 = arith.constant 0 : i32
    %dma_start3A_39 = tpu.memref_slice %arg5[%dma_start3A_37, %dma_start3A_38] : memref<13x128xi32, #tpu.memory_space<vmem>> -> memref<1x128xi32, #tpu.memory_space<vmem>>
    %dma_start3A_40 = tpu.memref_squeeze %dma_start3A_39 : memref<1x128xi32, #tpu.memory_space<vmem>> -> memref<128xi32, #tpu.memory_space<vmem>>
    %dma_start3A_41 = arith.constant 0 : i32
    %dma_start3A_42 = arith.constant 0 : i32
    %dma_start3A_43 = tpu.memref_slice %arg2[%dma_start3A_41, %dma_start3A_42] : memref<204800x128xf32, #tpu.memory_space<hbm>> -> memref<204800x128xf32, #tpu.memory_space<hbm>>
    tpu.enqueue_indirect_dma source(%dma_start3A_43 : memref<204800x128xf32, #tpu.memory_space<hbm>>) target(%arg11 : memref<128x128xf32, #tpu.memory_space<vmem>>) offsets(%dma_start3A_40 : memref<128xi32, #tpu.memory_space<vmem>>) semaphore(%arg18 : memref<!tpu.dma_semaphore, #tpu.memory_space<semaphore_mem>>)
    %dma_start3A_44 = arith.constant 6 : i32
    %dma_start3A_45 = arith.constant 0 : i32
    %dma_start3A_46 = tpu.memref_slice %arg5[%dma_start3A_44, %dma_start3A_45] : memref<13x128xi32, #tpu.memory_space<vmem>> -> memref<1x128xi32, #tpu.memory_space<vmem>>
    %dma_start3A_47 = tpu.memref_squeeze %dma_start3A_46 : memref<1x128xi32, #tpu.memory_space<vmem>> -> memref<128xi32, #tpu.memory_space<vmem>>
    %dma_start3A_48 = arith.constant 0 : i32
    %dma_start3A_49 = arith.constant 0 : i32
    %dma_start3A_50 = tpu.memref_slice %arg2[%dma_start3A_48, %dma_start3A_49] : memref<204800x128xf32, #tpu.memory_space<hbm>> -> memref<204800x128xf32, #tpu.memory_space<hbm>>
    tpu.enqueue_indirect_dma source(%dma_start3A_50 : memref<204800x128xf32, #tpu.memory_space<hbm>>) target(%arg12 : memref<128x128xf32, #tpu.memory_space<vmem>>) offsets(%dma_start3A_47 : memref<128xi32, #tpu.memory_space<vmem>>) semaphore(%arg19 : memref<!tpu.dma_semaphore, #tpu.memory_space<semaphore_mem>>)
    %dma_wait3A = arith.constant 0 : i32
    %dma_wait3A_51 = arith.constant 0 : i32
    %dma_wait3A_52 = tpu.memref_slice %arg5[%dma_wait3A, %dma_wait3A_51] : memref<13x128xi32, #tpu.memory_space<vmem>> -> memref<1x128xi32, #tpu.memory_space<vmem>>
    %dma_wait3A_53 = tpu.memref_squeeze %dma_wait3A_52 : memref<1x128xi32, #tpu.memory_space<vmem>> -> memref<128xi32, #tpu.memory_space<vmem>>
    %dma_wait3A_54 = arith.constant 0 : i32
    %dma_wait3A_55 = arith.constant 0 : i32
    %dma_wait3A_56 = tpu.memref_slice %arg2[%dma_wait3A_54, %dma_wait3A_55] : memref<204800x128xf32, #tpu.memory_space<hbm>> -> memref<204800x128xf32, #tpu.memory_space<hbm>>
    tpu.wait_indirect_dma semaphore(%arg13 : memref<!tpu.dma_semaphore, #tpu.memory_space<semaphore_mem>>) src(%dma_wait3A_56 : memref<204800x128xf32, #tpu.memory_space<hbm>>) dst(%arg6 : memref<128x128xf32, #tpu.memory_space<vmem>>)
    %add3A_57 = arith.constant 0 : i32
    %add3A_58 = arith.addi %mul3A_2, %add3A_57 : i32
    %dma_start3A_59 = arith.constant 0 : i32
    %dma_start3A_60 = arith.constant 0 : i32
    %dma_start3A_61 = tpu.memref_slice %arg6[%dma_start3A_59, %dma_start3A_60] : memref<128x128xf32, #tpu.memory_space<vmem>> -> memref<128x128xf32, #tpu.memory_space<vmem>>
    %dma_start3A_62 = arith.constant 0 : i32
    %dma_start3A_63 = tpu.memref_slice %arg4[%add3A_58, %dma_start3A_62] : memref<51200x128xf32, #tpu.memory_space<hbm>> -> memref<128x128xf32, #tpu.memory_space<hbm>>
    %dma_start3A_64 = arith.constant 0 : i32
    %dma_start3A_65 = tpu.memref_slice %arg4[%add3A_58, %dma_start3A_64] : memref<51200x128xf32, #tpu.memory_space<hbm>> -> memref<128x128xf32, #tpu.memory_space<hbm>>
    %dma_start3A_66 = arith.constant 0 : i32
    %dma_start3A_67 = arith.constant 0 : i32
    %dma_start3A_68 = tpu.memref_slice %arg6[%dma_start3A_66, %dma_start3A_67] : memref<128x128xf32, #tpu.memory_space<vmem>> -> memref<128x128xf32, #tpu.memory_space<vmem>>
    tpu.enqueue_dma source(%dma_start3A_68 : memref<128x128xf32, #tpu.memory_space<vmem>>) target(%dma_start3A_65 : memref<128x128xf32, #tpu.memory_space<hbm>>) target_semaphore(%arg20 : memref<!tpu.dma_semaphore, #tpu.memory_space<semaphore_mem>>)
    %dma_wait3A_69 = arith.constant 0 : i32
    %dma_wait3A_70 = arith.constant 0 : i32
    %dma_wait3A_71 = tpu.memref_slice %arg6[%dma_wait3A_69, %dma_wait3A_70] : memref<128x128xf32, #tpu.memory_space<vmem>> -> memref<128x128xf32, #tpu.memory_space<vmem>>
    %dma_wait3A_72 = arith.constant 0 : i32
    %dma_wait3A_73 = tpu.memref_slice %arg4[%add3A_58, %dma_wait3A_72] : memref<51200x128xf32, #tpu.memory_space<hbm>> -> memref<128x128xf32, #tpu.memory_space<hbm>>
    %dma_wait3A_74 = arith.constant 0 : i32
    %dma_wait3A_75 = tpu.memref_slice %arg4[%add3A_58, %dma_wait3A_74] : memref<51200x128xf32, #tpu.memory_space<hbm>> -> memref<128x128xf32, #tpu.memory_space<hbm>>
    %dma_wait3A_76 = arith.constant 0 : i32
    %dma_wait3A_77 = arith.constant 0 : i32
    %dma_wait3A_78 = tpu.memref_slice %arg6[%dma_wait3A_76, %dma_wait3A_77] : memref<128x128xf32, #tpu.memory_space<vmem>> -> memref<128x128xf32, #tpu.memory_space<vmem>>
    tpu.wait_dma2 semaphore(%arg20 : memref<!tpu.dma_semaphore, #tpu.memory_space<semaphore_mem>>) src(%dma_wait3A_78 : memref<128x128xf32, #tpu.memory_space<vmem>>) dst(%dma_wait3A_75 : memref<128x128xf32, #tpu.memory_space<hbm>>)
    %dma_start3A_79 = arith.constant 7 : i32
    %dma_start3A_80 = arith.constant 0 : i32
    %dma_start3A_81 = tpu.memref_slice %arg5[%dma_start3A_79, %dma_start3A_80] : memref<13x128xi32, #tpu.memory_space<vmem>> -> memref<1x128xi32, #tpu.memory_space<vmem>>
    %dma_start3A_82 = tpu.memref_squeeze %dma_start3A_81 : memref<1x128xi32, #tpu.memory_space<vmem>> -> memref<128xi32, #tpu.memory_space<vmem>>
    %dma_start3A_83 = arith.constant 0 : i32
    %dma_start3A_84 = arith.constant 0 : i32
    %dma_start3A_85 = tpu.memref_slice %arg2[%dma_start3A_83, %dma_start3A_84] : memref<204800x128xf32, #tpu.memory_space<hbm>> -> memref<204800x128xf32, #tpu.memory_space<hbm>>
    tpu.enqueue_indirect_dma source(%dma_start3A_85 : memref<204800x128xf32, #tpu.memory_space<hbm>>) target(%arg6 : memref<128x128xf32, #tpu.memory_space<vmem>>) offsets(%dma_start3A_82 : memref<128xi32, #tpu.memory_space<vmem>>) semaphore(%arg13 : memref<!tpu.dma_semaphore, #tpu.memory_space<semaphore_mem>>)
    %dma_wait3A_86 = arith.constant 1 : i32
    %dma_wait3A_87 = arith.constant 0 : i32
    %dma_wait3A_88 = tpu.memref_slice %arg5[%dma_wait3A_86, %dma_wait3A_87] : memref<13x128xi32, #tpu.memory_space<vmem>> -> memref<1x128xi32, #tpu.memory_space<vmem>>
    %dma_wait3A_89 = tpu.memref_squeeze %dma_wait3A_88 : memref<1x128xi32, #tpu.memory_space<vmem>> -> memref<128xi32, #tpu.memory_space<vmem>>
    %dma_wait3A_90 = arith.constant 0 : i32
    %dma_wait3A_91 = arith.constant 0 : i32
    %dma_wait3A_92 = tpu.memref_slice %arg2[%dma_wait3A_90, %dma_wait3A_91] : memref<204800x128xf32, #tpu.memory_space<hbm>> -> memref<204800x128xf32, #tpu.memory_space<hbm>>
    tpu.wait_indirect_dma semaphore(%arg14 : memref<!tpu.dma_semaphore, #tpu.memory_space<semaphore_mem>>) src(%dma_wait3A_92 : memref<204800x128xf32, #tpu.memory_space<hbm>>) dst(%arg7 : memref<128x128xf32, #tpu.memory_space<vmem>>)
    %add3A_93 = arith.constant 128 : i32
    %add3A_94 = arith.addi %mul3A_2, %add3A_93 : i32
    %dma_start3A_95 = arith.constant 0 : i32
    %dma_start3A_96 = arith.constant 0 : i32
    %dma_start3A_97 = tpu.memref_slice %arg7[%dma_start3A_95, %dma_start3A_96] : memref<128x128xf32, #tpu.memory_space<vmem>> -> memref<128x128xf32, #tpu.memory_space<vmem>>
    %dma_start3A_98 = arith.constant 0 : i32
    %dma_start3A_99 = tpu.memref_slice %arg4[%add3A_94, %dma_start3A_98] : memref<51200x128xf32, #tpu.memory_space<hbm>> -> memref<128x128xf32, #tpu.memory_space<hbm>>
    %dma_start3A_100 = arith.constant 0 : i32
    %dma_start3A_101 = tpu.memref_slice %arg4[%add3A_94, %dma_start3A_100] : memref<51200x128xf32, #tpu.memory_space<hbm>> -> memref<128x128xf32, #tpu.memory_space<hbm>>
    %dma_start3A_102 = arith.constant 0 : i32
    %dma_start3A_103 = arith.constant 0 : i32
    %dma_start3A_104 = tpu.memref_slice %arg7[%dma_start3A_102, %dma_start3A_103] : memref<128x128xf32, #tpu.memory_space<vmem>> -> memref<128x128xf32, #tpu.memory_space<vmem>>
    tpu.enqueue_dma source(%dma_start3A_104 : memref<128x128xf32, #tpu.memory_space<vmem>>) target(%dma_start3A_101 : memref<128x128xf32, #tpu.memory_space<hbm>>) target_semaphore(%arg21 : memref<!tpu.dma_semaphore, #tpu.memory_space<semaphore_mem>>)
    %dma_wait3A_105 = arith.constant 0 : i32
    %dma_wait3A_106 = arith.constant 0 : i32
    %dma_wait3A_107 = tpu.memref_slice %arg7[%dma_wait3A_105, %dma_wait3A_106] : memref<128x128xf32, #tpu.memory_space<vmem>> -> memref<128x128xf32, #tpu.memory_space<vmem>>
    %dma_wait3A_108 = arith.constant 0 : i32
    %dma_wait3A_109 = tpu.memref_slice %arg4[%add3A_94, %dma_wait3A_108] : memref<51200x128xf32, #tpu.memory_space<hbm>> -> memref<128x128xf32, #tpu.memory_space<hbm>>
    %dma_wait3A_110 = arith.constant 0 : i32
    %dma_wait3A_111 = tpu.memref_slice %arg4[%add3A_94, %dma_wait3A_110] : memref<51200x128xf32, #tpu.memory_space<hbm>> -> memref<128x128xf32, #tpu.memory_space<hbm>>
    %dma_wait3A_112 = arith.constant 0 : i32
    %dma_wait3A_113 = arith.constant 0 : i32
    %dma_wait3A_114 = tpu.memref_slice %arg7[%dma_wait3A_112, %dma_wait3A_113] : memref<128x128xf32, #tpu.memory_space<vmem>> -> memref<128x128xf32, #tpu.memory_space<vmem>>
    tpu.wait_dma2 semaphore(%arg21 : memref<!tpu.dma_semaphore, #tpu.memory_space<semaphore_mem>>) src(%dma_wait3A_114 : memref<128x128xf32, #tpu.memory_space<vmem>>) dst(%dma_wait3A_111 : memref<128x128xf32, #tpu.memory_space<hbm>>)
    %dma_start3A_115 = arith.constant 8 : i32
    %dma_start3A_116 = arith.constant 0 : i32
    %dma_start3A_117 = tpu.memref_slice %arg5[%dma_start3A_115, %dma_start3A_116] : memref<13x128xi32, #tpu.memory_space<vmem>> -> memref<1x128xi32, #tpu.memory_space<vmem>>
    %dma_start3A_118 = tpu.memref_squeeze %dma_start3A_117 : memref<1x128xi32, #tpu.memory_space<vmem>> -> memref<128xi32, #tpu.memory_space<vmem>>
    %dma_start3A_119 = arith.constant 0 : i32
    %dma_start3A_120 = arith.constant 0 : i32
    %dma_start3A_121 = tpu.memref_slice %arg2[%dma_start3A_119, %dma_start3A_120] : memref<204800x128xf32, #tpu.memory_space<hbm>> -> memref<204800x128xf32, #tpu.memory_space<hbm>>
    tpu.enqueue_indirect_dma source(%dma_start3A_121 : memref<204800x128xf32, #tpu.memory_space<hbm>>) target(%arg7 : memref<128x128xf32, #tpu.memory_space<vmem>>) offsets(%dma_start3A_118 : memref<128xi32, #tpu.memory_space<vmem>>) semaphore(%arg14 : memref<!tpu.dma_semaphore, #tpu.memory_space<semaphore_mem>>)
    %dma_wait3A_122 = arith.constant 2 : i32
    %dma_wait3A_123 = arith.constant 0 : i32
    %dma_wait3A_124 = tpu.memref_slice %arg5[%dma_wait3A_122, %dma_wait3A_123] : memref<13x128xi32, #tpu.memory_space<vmem>> -> memref<1x128xi32, #tpu.memory_space<vmem>>
    %dma_wait3A_125 = tpu.memref_squeeze %dma_wait3A_124 : memref<1x128xi32, #tpu.memory_space<vmem>> -> memref<128xi32, #tpu.memory_space<vmem>>
    %dma_wait3A_126 = arith.constant 0 : i32
    %dma_wait3A_127 = arith.constant 0 : i32
    %dma_wait3A_128 = tpu.memref_slice %arg2[%dma_wait3A_126, %dma_wait3A_127] : memref<204800x128xf32, #tpu.memory_space<hbm>> -> memref<204800x128xf32, #tpu.memory_space<hbm>>
    tpu.wait_indirect_dma semaphore(%arg15 : memref<!tpu.dma_semaphore, #tpu.memory_space<semaphore_mem>>) src(%dma_wait3A_128 : memref<204800x128xf32, #tpu.memory_space<hbm>>) dst(%arg8 : memref<128x128xf32, #tpu.memory_space<vmem>>)
    %add3A_129 = arith.constant 256 : i32
    %add3A_130 = arith.addi %mul3A_2, %add3A_129 : i32
    %dma_start3A_131 = arith.constant 0 : i32
    %dma_start3A_132 = arith.constant 0 : i32
    %dma_start3A_133 = tpu.memref_slice %arg8[%dma_start3A_131, %dma_start3A_132] : memref<128x128xf32, #tpu.memory_space<vmem>> -> memref<128x128xf32, #tpu.memory_space<vmem>>
    %dma_start3A_134 = arith.constant 0 : i32
    %dma_start3A_135 = tpu.memref_slice %arg4[%add3A_130, %dma_start3A_134] : memref<51200x128xf32, #tpu.memory_space<hbm>> -> memref<128x128xf32, #tpu.memory_space<hbm>>
    %dma_start3A_136 = arith.constant 0 : i32
    %dma_start3A_137 = tpu.memref_slice %arg4[%add3A_130, %dma_start3A_136] : memref<51200x128xf32, #tpu.memory_space<hbm>> -> memref<128x128xf32, #tpu.memory_space<hbm>>
    %dma_start3A_138 = arith.constant 0 : i32
    %dma_start3A_139 = arith.constant 0 : i32
    %dma_start3A_140 = tpu.memref_slice %arg8[%dma_start3A_138, %dma_start3A_139] : memref<128x128xf32, #tpu.memory_space<vmem>> -> memref<128x128xf32, #tpu.memory_space<vmem>>
    tpu.enqueue_dma source(%dma_start3A_140 : memref<128x128xf32, #tpu.memory_space<vmem>>) target(%dma_start3A_137 : memref<128x128xf32, #tpu.memory_space<hbm>>) target_semaphore(%arg22 : memref<!tpu.dma_semaphore, #tpu.memory_space<semaphore_mem>>)
    %dma_wait3A_141 = arith.constant 0 : i32
    %dma_wait3A_142 = arith.constant 0 : i32
    %dma_wait3A_143 = tpu.memref_slice %arg8[%dma_wait3A_141, %dma_wait3A_142] : memref<128x128xf32, #tpu.memory_space<vmem>> -> memref<128x128xf32, #tpu.memory_space<vmem>>
    %dma_wait3A_144 = arith.constant 0 : i32
    %dma_wait3A_145 = tpu.memref_slice %arg4[%add3A_130, %dma_wait3A_144] : memref<51200x128xf32, #tpu.memory_space<hbm>> -> memref<128x128xf32, #tpu.memory_space<hbm>>
    %dma_wait3A_146 = arith.constant 0 : i32
    %dma_wait3A_147 = tpu.memref_slice %arg4[%add3A_130, %dma_wait3A_146] : memref<51200x128xf32, #tpu.memory_space<hbm>> -> memref<128x128xf32, #tpu.memory_space<hbm>>
    %dma_wait3A_148 = arith.constant 0 : i32
    %dma_wait3A_149 = arith.constant 0 : i32
    %dma_wait3A_150 = tpu.memref_slice %arg8[%dma_wait3A_148, %dma_wait3A_149] : memref<128x128xf32, #tpu.memory_space<vmem>> -> memref<128x128xf32, #tpu.memory_space<vmem>>
    tpu.wait_dma2 semaphore(%arg22 : memref<!tpu.dma_semaphore, #tpu.memory_space<semaphore_mem>>) src(%dma_wait3A_150 : memref<128x128xf32, #tpu.memory_space<vmem>>) dst(%dma_wait3A_147 : memref<128x128xf32, #tpu.memory_space<hbm>>)
    %dma_start3A_151 = arith.constant 9 : i32
    %dma_start3A_152 = arith.constant 0 : i32
    %dma_start3A_153 = tpu.memref_slice %arg5[%dma_start3A_151, %dma_start3A_152] : memref<13x128xi32, #tpu.memory_space<vmem>> -> memref<1x128xi32, #tpu.memory_space<vmem>>
    %dma_start3A_154 = tpu.memref_squeeze %dma_start3A_153 : memref<1x128xi32, #tpu.memory_space<vmem>> -> memref<128xi32, #tpu.memory_space<vmem>>
    %dma_start3A_155 = arith.constant 0 : i32
    %dma_start3A_156 = arith.constant 0 : i32
    %dma_start3A_157 = tpu.memref_slice %arg2[%dma_start3A_155, %dma_start3A_156] : memref<204800x128xf32, #tpu.memory_space<hbm>> -> memref<204800x128xf32, #tpu.memory_space<hbm>>
    tpu.enqueue_indirect_dma source(%dma_start3A_157 : memref<204800x128xf32, #tpu.memory_space<hbm>>) target(%arg8 : memref<128x128xf32, #tpu.memory_space<vmem>>) offsets(%dma_start3A_154 : memref<128xi32, #tpu.memory_space<vmem>>) semaphore(%arg15 : memref<!tpu.dma_semaphore, #tpu.memory_space<semaphore_mem>>)
    %dma_wait3A_158 = arith.constant 3 : i32
    %dma_wait3A_159 = arith.constant 0 : i32
    %dma_wait3A_160 = tpu.memref_slice %arg5[%dma_wait3A_158, %dma_wait3A_159] : memref<13x128xi32, #tpu.memory_space<vmem>> -> memref<1x128xi32, #tpu.memory_space<vmem>>
    %dma_wait3A_161 = tpu.memref_squeeze %dma_wait3A_160 : memref<1x128xi32, #tpu.memory_space<vmem>> -> memref<128xi32, #tpu.memory_space<vmem>>
    %dma_wait3A_162 = arith.constant 0 : i32
    %dma_wait3A_163 = arith.constant 0 : i32
    %dma_wait3A_164 = tpu.memref_slice %arg2[%dma_wait3A_162, %dma_wait3A_163] : memref<204800x128xf32, #tpu.memory_space<hbm>> -> memref<204800x128xf32, #tpu.memory_space<hbm>>
    tpu.wait_indirect_dma semaphore(%arg16 : memref<!tpu.dma_semaphore, #tpu.memory_space<semaphore_mem>>) src(%dma_wait3A_164 : memref<204800x128xf32, #tpu.memory_space<hbm>>) dst(%arg9 : memref<128x128xf32, #tpu.memory_space<vmem>>)
    %add3A_165 = arith.constant 384 : i32
    %add3A_166 = arith.addi %mul3A_2, %add3A_165 : i32
    %dma_start3A_167 = arith.constant 0 : i32
    %dma_start3A_168 = arith.constant 0 : i32
    %dma_start3A_169 = tpu.memref_slice %arg9[%dma_start3A_167, %dma_start3A_168] : memref<128x128xf32, #tpu.memory_space<vmem>> -> memref<128x128xf32, #tpu.memory_space<vmem>>
    %dma_start3A_170 = arith.constant 0 : i32
    %dma_start3A_171 = tpu.memref_slice %arg4[%add3A_166, %dma_start3A_170] : memref<51200x128xf32, #tpu.memory_space<hbm>> -> memref<128x128xf32, #tpu.memory_space<hbm>>
    %dma_start3A_172 = arith.constant 0 : i32
    %dma_start3A_173 = tpu.memref_slice %arg4[%add3A_166, %dma_start3A_172] : memref<51200x128xf32, #tpu.memory_space<hbm>> -> memref<128x128xf32, #tpu.memory_space<hbm>>
    %dma_start3A_174 = arith.constant 0 : i32
    %dma_start3A_175 = arith.constant 0 : i32
    %dma_start3A_176 = tpu.memref_slice %arg9[%dma_start3A_174, %dma_start3A_175] : memref<128x128xf32, #tpu.memory_space<vmem>> -> memref<128x128xf32, #tpu.memory_space<vmem>>
    tpu.enqueue_dma source(%dma_start3A_176 : memref<128x128xf32, #tpu.memory_space<vmem>>) target(%dma_start3A_173 : memref<128x128xf32, #tpu.memory_space<hbm>>) target_semaphore(%arg23 : memref<!tpu.dma_semaphore, #tpu.memory_space<semaphore_mem>>)
    %dma_wait3A_177 = arith.constant 0 : i32
    %dma_wait3A_178 = arith.constant 0 : i32
    %dma_wait3A_179 = tpu.memref_slice %arg9[%dma_wait3A_177, %dma_wait3A_178] : memref<128x128xf32, #tpu.memory_space<vmem>> -> memref<128x128xf32, #tpu.memory_space<vmem>>
    %dma_wait3A_180 = arith.constant 0 : i32
    %dma_wait3A_181 = tpu.memref_slice %arg4[%add3A_166, %dma_wait3A_180] : memref<51200x128xf32, #tpu.memory_space<hbm>> -> memref<128x128xf32, #tpu.memory_space<hbm>>
    %dma_wait3A_182 = arith.constant 0 : i32
    %dma_wait3A_183 = tpu.memref_slice %arg4[%add3A_166, %dma_wait3A_182] : memref<51200x128xf32, #tpu.memory_space<hbm>> -> memref<128x128xf32, #tpu.memory_space<hbm>>
    %dma_wait3A_184 = arith.constant 0 : i32
    %dma_wait3A_185 = arith.constant 0 : i32
    %dma_wait3A_186 = tpu.memref_slice %arg9[%dma_wait3A_184, %dma_wait3A_185] : memref<128x128xf32, #tpu.memory_space<vmem>> -> memref<128x128xf32, #tpu.memory_space<vmem>>
    tpu.wait_dma2 semaphore(%arg23 : memref<!tpu.dma_semaphore, #tpu.memory_space<semaphore_mem>>) src(%dma_wait3A_186 : memref<128x128xf32, #tpu.memory_space<vmem>>) dst(%dma_wait3A_183 : memref<128x128xf32, #tpu.memory_space<hbm>>)
    %dma_start3A_187 = arith.constant 10 : i32
    %dma_start3A_188 = arith.constant 0 : i32
    %dma_start3A_189 = tpu.memref_slice %arg5[%dma_start3A_187, %dma_start3A_188] : memref<13x128xi32, #tpu.memory_space<vmem>> -> memref<1x128xi32, #tpu.memory_space<vmem>>
    %dma_start3A_190 = tpu.memref_squeeze %dma_start3A_189 : memref<1x128xi32, #tpu.memory_space<vmem>> -> memref<128xi32, #tpu.memory_space<vmem>>
    %dma_start3A_191 = arith.constant 0 : i32
    %dma_start3A_192 = arith.constant 0 : i32
    %dma_start3A_193 = tpu.memref_slice %arg2[%dma_start3A_191, %dma_start3A_192] : memref<204800x128xf32, #tpu.memory_space<hbm>> -> memref<204800x128xf32, #tpu.memory_space<hbm>>
    tpu.enqueue_indirect_dma source(%dma_start3A_193 : memref<204800x128xf32, #tpu.memory_space<hbm>>) target(%arg9 : memref<128x128xf32, #tpu.memory_space<vmem>>) offsets(%dma_start3A_190 : memref<128xi32, #tpu.memory_space<vmem>>) semaphore(%arg16 : memref<!tpu.dma_semaphore, #tpu.memory_space<semaphore_mem>>)
    %dma_wait3A_194 = arith.constant 4 : i32
    %dma_wait3A_195 = arith.constant 0 : i32
    %dma_wait3A_196 = tpu.memref_slice %arg5[%dma_wait3A_194, %dma_wait3A_195] : memref<13x128xi32, #tpu.memory_space<vmem>> -> memref<1x128xi32, #tpu.memory_space<vmem>>
    %dma_wait3A_197 = tpu.memref_squeeze %dma_wait3A_196 : memref<1x128xi32, #tpu.memory_space<vmem>> -> memref<128xi32, #tpu.memory_space<vmem>>
    %dma_wait3A_198 = arith.constant 0 : i32
    %dma_wait3A_199 = arith.constant 0 : i32
    %dma_wait3A_200 = tpu.memref_slice %arg2[%dma_wait3A_198, %dma_wait3A_199] : memref<204800x128xf32, #tpu.memory_space<hbm>> -> memref<204800x128xf32, #tpu.memory_space<hbm>>
    tpu.wait_indirect_dma semaphore(%arg17 : memref<!tpu.dma_semaphore, #tpu.memory_space<semaphore_mem>>) src(%dma_wait3A_200 : memref<204800x128xf32, #tpu.memory_space<hbm>>) dst(%arg10 : memref<128x128xf32, #tpu.memory_space<vmem>>)
    %add3A_201 = arith.constant 512 : i32
    %add3A_202 = arith.addi %mul3A_2, %add3A_201 : i32
    %dma_start3A_203 = arith.constant 0 : i32
    %dma_start3A_204 = arith.constant 0 : i32
    %dma_start3A_205 = tpu.memref_slice %arg10[%dma_start3A_203, %dma_start3A_204] : memref<128x128xf32, #tpu.memory_space<vmem>> -> memref<128x128xf32, #tpu.memory_space<vmem>>
    %dma_start3A_206 = arith.constant 0 : i32
    %dma_start3A_207 = tpu.memref_slice %arg4[%add3A_202, %dma_start3A_206] : memref<51200x128xf32, #tpu.memory_space<hbm>> -> memref<128x128xf32, #tpu.memory_space<hbm>>
    %dma_start3A_208 = arith.constant 0 : i32
    %dma_start3A_209 = tpu.memref_slice %arg4[%add3A_202, %dma_start3A_208] : memref<51200x128xf32, #tpu.memory_space<hbm>> -> memref<128x128xf32, #tpu.memory_space<hbm>>
    %dma_start3A_210 = arith.constant 0 : i32
    %dma_start3A_211 = arith.constant 0 : i32
    %dma_start3A_212 = tpu.memref_slice %arg10[%dma_start3A_210, %dma_start3A_211] : memref<128x128xf32, #tpu.memory_space<vmem>> -> memref<128x128xf32, #tpu.memory_space<vmem>>
    tpu.enqueue_dma source(%dma_start3A_212 : memref<128x128xf32, #tpu.memory_space<vmem>>) target(%dma_start3A_209 : memref<128x128xf32, #tpu.memory_space<hbm>>) target_semaphore(%arg24 : memref<!tpu.dma_semaphore, #tpu.memory_space<semaphore_mem>>)
    %dma_wait3A_213 = arith.constant 0 : i32
    %dma_wait3A_214 = arith.constant 0 : i32
    %dma_wait3A_215 = tpu.memref_slice %arg10[%dma_wait3A_213, %dma_wait3A_214] : memref<128x128xf32, #tpu.memory_space<vmem>> -> memref<128x128xf32, #tpu.memory_space<vmem>>
    %dma_wait3A_216 = arith.constant 0 : i32
    %dma_wait3A_217 = tpu.memref_slice %arg4[%add3A_202, %dma_wait3A_216] : memref<51200x128xf32, #tpu.memory_space<hbm>> -> memref<128x128xf32, #tpu.memory_space<hbm>>
    %dma_wait3A_218 = arith.constant 0 : i32
    %dma_wait3A_219 = tpu.memref_slice %arg4[%add3A_202, %dma_wait3A_218] : memref<51200x128xf32, #tpu.memory_space<hbm>> -> memref<128x128xf32, #tpu.memory_space<hbm>>
    %dma_wait3A_220 = arith.constant 0 : i32
    %dma_wait3A_221 = arith.constant 0 : i32
    %dma_wait3A_222 = tpu.memref_slice %arg10[%dma_wait3A_220, %dma_wait3A_221] : memref<128x128xf32, #tpu.memory_space<vmem>> -> memref<128x128xf32, #tpu.memory_space<vmem>>
    tpu.wait_dma2 semaphore(%arg24 : memref<!tpu.dma_semaphore, #tpu.memory_space<semaphore_mem>>) src(%dma_wait3A_222 : memref<128x128xf32, #tpu.memory_space<vmem>>) dst(%dma_wait3A_219 : memref<128x128xf32, #tpu.memory_space<hbm>>)
    %dma_start3A_223 = arith.constant 11 : i32
    %dma_start3A_224 = arith.constant 0 : i32
    %dma_start3A_225 = tpu.memref_slice %arg5[%dma_start3A_223, %dma_start3A_224] : memref<13x128xi32, #tpu.memory_space<vmem>> -> memref<1x128xi32, #tpu.memory_space<vmem>>
    %dma_start3A_226 = tpu.memref_squeeze %dma_start3A_225 : memref<1x128xi32, #tpu.memory_space<vmem>> -> memref<128xi32, #tpu.memory_space<vmem>>
    %dma_start3A_227 = arith.constant 0 : i32
    %dma_start3A_228 = arith.constant 0 : i32
    %dma_start3A_229 = tpu.memref_slice %arg2[%dma_start3A_227, %dma_start3A_228] : memref<204800x128xf32, #tpu.memory_space<hbm>> -> memref<204800x128xf32, #tpu.memory_space<hbm>>
    tpu.enqueue_indirect_dma source(%dma_start3A_229 : memref<204800x128xf32, #tpu.memory_space<hbm>>) target(%arg10 : memref<128x128xf32, #tpu.memory_space<vmem>>) offsets(%dma_start3A_226 : memref<128xi32, #tpu.memory_space<vmem>>) semaphore(%arg17 : memref<!tpu.dma_semaphore, #tpu.memory_space<semaphore_mem>>)
    %dma_wait3A_230 = arith.constant 5 : i32
    %dma_wait3A_231 = arith.constant 0 : i32
    %dma_wait3A_232 = tpu.memref_slice %arg5[%dma_wait3A_230, %dma_wait3A_231] : memref<13x128xi32, #tpu.memory_space<vmem>> -> memref<1x128xi32, #tpu.memory_space<vmem>>
    %dma_wait3A_233 = tpu.memref_squeeze %dma_wait3A_232 : memref<1x128xi32, #tpu.memory_space<vmem>> -> memref<128xi32, #tpu.memory_space<vmem>>
    %dma_wait3A_234 = arith.constant 0 : i32
    %dma_wait3A_235 = arith.constant 0 : i32
    %dma_wait3A_236 = tpu.memref_slice %arg2[%dma_wait3A_234, %dma_wait3A_235] : memref<204800x128xf32, #tpu.memory_space<hbm>> -> memref<204800x128xf32, #tpu.memory_space<hbm>>
    tpu.wait_indirect_dma semaphore(%arg18 : memref<!tpu.dma_semaphore, #tpu.memory_space<semaphore_mem>>) src(%dma_wait3A_236 : memref<204800x128xf32, #tpu.memory_space<hbm>>) dst(%arg11 : memref<128x128xf32, #tpu.memory_space<vmem>>)
    %add3A_237 = arith.constant 640 : i32
    %add3A_238 = arith.addi %mul3A_2, %add3A_237 : i32
    %dma_start3A_239 = arith.constant 0 : i32
    %dma_start3A_240 = arith.constant 0 : i32
    %dma_start3A_241 = tpu.memref_slice %arg11[%dma_start3A_239, %dma_start3A_240] : memref<128x128xf32, #tpu.memory_space<vmem>> -> memref<128x128xf32, #tpu.memory_space<vmem>>
    %dma_start3A_242 = arith.constant 0 : i32
    %dma_start3A_243 = tpu.memref_slice %arg4[%add3A_238, %dma_start3A_242] : memref<51200x128xf32, #tpu.memory_space<hbm>> -> memref<128x128xf32, #tpu.memory_space<hbm>>
    %dma_start3A_244 = arith.constant 0 : i32
    %dma_start3A_245 = tpu.memref_slice %arg4[%add3A_238, %dma_start3A_244] : memref<51200x128xf32, #tpu.memory_space<hbm>> -> memref<128x128xf32, #tpu.memory_space<hbm>>
    %dma_start3A_246 = arith.constant 0 : i32
    %dma_start3A_247 = arith.constant 0 : i32
    %dma_start3A_248 = tpu.memref_slice %arg11[%dma_start3A_246, %dma_start3A_247] : memref<128x128xf32, #tpu.memory_space<vmem>> -> memref<128x128xf32, #tpu.memory_space<vmem>>
    tpu.enqueue_dma source(%dma_start3A_248 : memref<128x128xf32, #tpu.memory_space<vmem>>) target(%dma_start3A_245 : memref<128x128xf32, #tpu.memory_space<hbm>>) target_semaphore(%arg25 : memref<!tpu.dma_semaphore, #tpu.memory_space<semaphore_mem>>)
    %dma_wait3A_249 = arith.constant 0 : i32
    %dma_wait3A_250 = arith.constant 0 : i32
    %dma_wait3A_251 = tpu.memref_slice %arg11[%dma_wait3A_249, %dma_wait3A_250] : memref<128x128xf32, #tpu.memory_space<vmem>> -> memref<128x128xf32, #tpu.memory_space<vmem>>
    %dma_wait3A_252 = arith.constant 0 : i32
    %dma_wait3A_253 = tpu.memref_slice %arg4[%add3A_238, %dma_wait3A_252] : memref<51200x128xf32, #tpu.memory_space<hbm>> -> memref<128x128xf32, #tpu.memory_space<hbm>>
    %dma_wait3A_254 = arith.constant 0 : i32
    %dma_wait3A_255 = tpu.memref_slice %arg4[%add3A_238, %dma_wait3A_254] : memref<51200x128xf32, #tpu.memory_space<hbm>> -> memref<128x128xf32, #tpu.memory_space<hbm>>
    %dma_wait3A_256 = arith.constant 0 : i32
    %dma_wait3A_257 = arith.constant 0 : i32
    %dma_wait3A_258 = tpu.memref_slice %arg11[%dma_wait3A_256, %dma_wait3A_257] : memref<128x128xf32, #tpu.memory_space<vmem>> -> memref<128x128xf32, #tpu.memory_space<vmem>>
    tpu.wait_dma2 semaphore(%arg25 : memref<!tpu.dma_semaphore, #tpu.memory_space<semaphore_mem>>) src(%dma_wait3A_258 : memref<128x128xf32, #tpu.memory_space<vmem>>) dst(%dma_wait3A_255 : memref<128x128xf32, #tpu.memory_space<hbm>>)
    %dma_start3A_259 = arith.constant 12 : i32
    %dma_start3A_260 = arith.constant 0 : i32
    %dma_start3A_261 = tpu.memref_slice %arg5[%dma_start3A_259, %dma_start3A_260] : memref<13x128xi32, #tpu.memory_space<vmem>> -> memref<1x128xi32, #tpu.memory_space<vmem>>
    %dma_start3A_262 = tpu.memref_squeeze %dma_start3A_261 : memref<1x128xi32, #tpu.memory_space<vmem>> -> memref<128xi32, #tpu.memory_space<vmem>>
    %dma_start3A_263 = arith.constant 0 : i32
    %dma_start3A_264 = arith.constant 0 : i32
    %dma_start3A_265 = tpu.memref_slice %arg2[%dma_start3A_263, %dma_start3A_264] : memref<204800x128xf32, #tpu.memory_space<hbm>> -> memref<204800x128xf32, #tpu.memory_space<hbm>>
    tpu.enqueue_indirect_dma source(%dma_start3A_265 : memref<204800x128xf32, #tpu.memory_space<hbm>>) target(%arg11 : memref<128x128xf32, #tpu.memory_space<vmem>>) offsets(%dma_start3A_262 : memref<128xi32, #tpu.memory_space<vmem>>) semaphore(%arg18 : memref<!tpu.dma_semaphore, #tpu.memory_space<semaphore_mem>>)
    %dma_wait3A_266 = arith.constant 6 : i32
    %dma_wait3A_267 = arith.constant 0 : i32
    %dma_wait3A_268 = tpu.memref_slice %arg5[%dma_wait3A_266, %dma_wait3A_267] : memref<13x128xi32, #tpu.memory_space<vmem>> -> memref<1x128xi32, #tpu.memory_space<vmem>>
    %dma_wait3A_269 = tpu.memref_squeeze %dma_wait3A_268 : memref<1x128xi32, #tpu.memory_space<vmem>> -> memref<128xi32, #tpu.memory_space<vmem>>
    %dma_wait3A_270 = arith.constant 0 : i32
    %dma_wait3A_271 = arith.constant 0 : i32
    %dma_wait3A_272 = tpu.memref_slice %arg2[%dma_wait3A_270, %dma_wait3A_271] : memref<204800x128xf32, #tpu.memory_space<hbm>> -> memref<204800x128xf32, #tpu.memory_space<hbm>>
    tpu.wait_indirect_dma semaphore(%arg19 : memref<!tpu.dma_semaphore, #tpu.memory_space<semaphore_mem>>) src(%dma_wait3A_272 : memref<204800x128xf32, #tpu.memory_space<hbm>>) dst(%arg12 : memref<128x128xf32, #tpu.memory_space<vmem>>)
    %add3A_273 = arith.constant 768 : i32
    %add3A_274 = arith.addi %mul3A_2, %add3A_273 : i32
    %dma_start3A_275 = arith.constant 0 : i32
    %dma_start3A_276 = arith.constant 0 : i32
    %dma_start3A_277 = tpu.memref_slice %arg12[%dma_start3A_275, %dma_start3A_276] : memref<128x128xf32, #tpu.memory_space<vmem>> -> memref<128x128xf32, #tpu.memory_space<vmem>>
    %dma_start3A_278 = arith.constant 0 : i32
    %dma_start3A_279 = tpu.memref_slice %arg4[%add3A_274, %dma_start3A_278] : memref<51200x128xf32, #tpu.memory_space<hbm>> -> memref<128x128xf32, #tpu.memory_space<hbm>>
    %dma_start3A_280 = arith.constant 0 : i32
    %dma_start3A_281 = tpu.memref_slice %arg4[%add3A_274, %dma_start3A_280] : memref<51200x128xf32, #tpu.memory_space<hbm>> -> memref<128x128xf32, #tpu.memory_space<hbm>>
    %dma_start3A_282 = arith.constant 0 : i32
    %dma_start3A_283 = arith.constant 0 : i32
    %dma_start3A_284 = tpu.memref_slice %arg12[%dma_start3A_282, %dma_start3A_283] : memref<128x128xf32, #tpu.memory_space<vmem>> -> memref<128x128xf32, #tpu.memory_space<vmem>>
    tpu.enqueue_dma source(%dma_start3A_284 : memref<128x128xf32, #tpu.memory_space<vmem>>) target(%dma_start3A_281 : memref<128x128xf32, #tpu.memory_space<hbm>>) target_semaphore(%arg26 : memref<!tpu.dma_semaphore, #tpu.memory_space<semaphore_mem>>)
    %dma_wait3A_285 = arith.constant 7 : i32
    %dma_wait3A_286 = arith.constant 0 : i32
    %dma_wait3A_287 = tpu.memref_slice %arg5[%dma_wait3A_285, %dma_wait3A_286] : memref<13x128xi32, #tpu.memory_space<vmem>> -> memref<1x128xi32, #tpu.memory_space<vmem>>
    %dma_wait3A_288 = tpu.memref_squeeze %dma_wait3A_287 : memref<1x128xi32, #tpu.memory_space<vmem>> -> memref<128xi32, #tpu.memory_space<vmem>>
    %dma_wait3A_289 = arith.constant 0 : i32
    %dma_wait3A_290 = arith.constant 0 : i32
    %dma_wait3A_291 = tpu.memref_slice %arg2[%dma_wait3A_289, %dma_wait3A_290] : memref<204800x128xf32, #tpu.memory_space<hbm>> -> memref<204800x128xf32, #tpu.memory_space<hbm>>
    tpu.wait_indirect_dma semaphore(%arg13 : memref<!tpu.dma_semaphore, #tpu.memory_space<semaphore_mem>>) src(%dma_wait3A_291 : memref<204800x128xf32, #tpu.memory_space<hbm>>) dst(%arg6 : memref<128x128xf32, #tpu.memory_space<vmem>>)
    %add3A_292 = arith.constant 896 : i32
    %add3A_293 = arith.addi %mul3A_2, %add3A_292 : i32
    %dma_start3A_294 = arith.constant 0 : i32
    %dma_start3A_295 = arith.constant 0 : i32
    %dma_start3A_296 = tpu.memref_slice %arg6[%dma_start3A_294, %dma_start3A_295] : memref<128x128xf32, #tpu.memory_space<vmem>> -> memref<128x128xf32, #tpu.memory_space<vmem>>
    %dma_start3A_297 = arith.constant 0 : i32
    %dma_start3A_298 = tpu.memref_slice %arg4[%add3A_293, %dma_start3A_297] : memref<51200x128xf32, #tpu.memory_space<hbm>> -> memref<128x128xf32, #tpu.memory_space<hbm>>
    %dma_start3A_299 = arith.constant 0 : i32
    %dma_start3A_300 = tpu.memref_slice %arg4[%add3A_293, %dma_start3A_299] : memref<51200x128xf32, #tpu.memory_space<hbm>> -> memref<128x128xf32, #tpu.memory_space<hbm>>
    %dma_start3A_301 = arith.constant 0 : i32
    %dma_start3A_302 = arith.constant 0 : i32
    %dma_start3A_303 = tpu.memref_slice %arg6[%dma_start3A_301, %dma_start3A_302] : memref<128x128xf32, #tpu.memory_space<vmem>> -> memref<128x128xf32, #tpu.memory_space<vmem>>
    tpu.enqueue_dma source(%dma_start3A_303 : memref<128x128xf32, #tpu.memory_space<vmem>>) target(%dma_start3A_300 : memref<128x128xf32, #tpu.memory_space<hbm>>) target_semaphore(%arg20 : memref<!tpu.dma_semaphore, #tpu.memory_space<semaphore_mem>>)
    %dma_wait3A_304 = arith.constant 8 : i32
    %dma_wait3A_305 = arith.constant 0 : i32
    %dma_wait3A_306 = tpu.memref_slice %arg5[%dma_wait3A_304, %dma_wait3A_305] : memref<13x128xi32, #tpu.memory_space<vmem>> -> memref<1x128xi32, #tpu.memory_space<vmem>>
    %dma_wait3A_307 = tpu.memref_squeeze %dma_wait3A_306 : memref<1x128xi32, #tpu.memory_space<vmem>> -> memref<128xi32, #tpu.memory_space<vmem>>
    %dma_wait3A_308 = arith.constant 0 : i32
    %dma_wait3A_309 = arith.constant 0 : i32
    %dma_wait3A_310 = tpu.memref_slice %arg2[%dma_wait3A_308, %dma_wait3A_309] : memref<204800x128xf32, #tpu.memory_space<hbm>> -> memref<204800x128xf32, #tpu.memory_space<hbm>>
    tpu.wait_indirect_dma semaphore(%arg14 : memref<!tpu.dma_semaphore, #tpu.memory_space<semaphore_mem>>) src(%dma_wait3A_310 : memref<204800x128xf32, #tpu.memory_space<hbm>>) dst(%arg7 : memref<128x128xf32, #tpu.memory_space<vmem>>)
    %add3A_311 = arith.constant 1024 : i32
    %add3A_312 = arith.addi %mul3A_2, %add3A_311 : i32
    %dma_start3A_313 = arith.constant 0 : i32
    %dma_start3A_314 = arith.constant 0 : i32
    %dma_start3A_315 = tpu.memref_slice %arg7[%dma_start3A_313, %dma_start3A_314] : memref<128x128xf32, #tpu.memory_space<vmem>> -> memref<128x128xf32, #tpu.memory_space<vmem>>
    %dma_start3A_316 = arith.constant 0 : i32
    %dma_start3A_317 = tpu.memref_slice %arg4[%add3A_312, %dma_start3A_316] : memref<51200x128xf32, #tpu.memory_space<hbm>> -> memref<128x128xf32, #tpu.memory_space<hbm>>
    %dma_start3A_318 = arith.constant 0 : i32
    %dma_start3A_319 = tpu.memref_slice %arg4[%add3A_312, %dma_start3A_318] : memref<51200x128xf32, #tpu.memory_space<hbm>> -> memref<128x128xf32, #tpu.memory_space<hbm>>
    %dma_start3A_320 = arith.constant 0 : i32
    %dma_start3A_321 = arith.constant 0 : i32
    %dma_start3A_322 = tpu.memref_slice %arg7[%dma_start3A_320, %dma_start3A_321] : memref<128x128xf32, #tpu.memory_space<vmem>> -> memref<128x128xf32, #tpu.memory_space<vmem>>
    tpu.enqueue_dma source(%dma_start3A_322 : memref<128x128xf32, #tpu.memory_space<vmem>>) target(%dma_start3A_319 : memref<128x128xf32, #tpu.memory_space<hbm>>) target_semaphore(%arg21 : memref<!tpu.dma_semaphore, #tpu.memory_space<semaphore_mem>>)
    %dma_wait3A_323 = arith.constant 9 : i32
    %dma_wait3A_324 = arith.constant 0 : i32
    %dma_wait3A_325 = tpu.memref_slice %arg5[%dma_wait3A_323, %dma_wait3A_324] : memref<13x128xi32, #tpu.memory_space<vmem>> -> memref<1x128xi32, #tpu.memory_space<vmem>>
    %dma_wait3A_326 = tpu.memref_squeeze %dma_wait3A_325 : memref<1x128xi32, #tpu.memory_space<vmem>> -> memref<128xi32, #tpu.memory_space<vmem>>
    %dma_wait3A_327 = arith.constant 0 : i32
    %dma_wait3A_328 = arith.constant 0 : i32
    %dma_wait3A_329 = tpu.memref_slice %arg2[%dma_wait3A_327, %dma_wait3A_328] : memref<204800x128xf32, #tpu.memory_space<hbm>> -> memref<204800x128xf32, #tpu.memory_space<hbm>>
    tpu.wait_indirect_dma semaphore(%arg15 : memref<!tpu.dma_semaphore, #tpu.memory_space<semaphore_mem>>) src(%dma_wait3A_329 : memref<204800x128xf32, #tpu.memory_space<hbm>>) dst(%arg8 : memref<128x128xf32, #tpu.memory_space<vmem>>)
    %add3A_330 = arith.constant 1152 : i32
    %add3A_331 = arith.addi %mul3A_2, %add3A_330 : i32
    %dma_start3A_332 = arith.constant 0 : i32
    %dma_start3A_333 = arith.constant 0 : i32
    %dma_start3A_334 = tpu.memref_slice %arg8[%dma_start3A_332, %dma_start3A_333] : memref<128x128xf32, #tpu.memory_space<vmem>> -> memref<128x128xf32, #tpu.memory_space<vmem>>
    %dma_start3A_335 = arith.constant 0 : i32
    %dma_start3A_336 = tpu.memref_slice %arg4[%add3A_331, %dma_start3A_335] : memref<51200x128xf32, #tpu.memory_space<hbm>> -> memref<128x128xf32, #tpu.memory_space<hbm>>
    %dma_start3A_337 = arith.constant 0 : i32
    %dma_start3A_338 = tpu.memref_slice %arg4[%add3A_331, %dma_start3A_337] : memref<51200x128xf32, #tpu.memory_space<hbm>> -> memref<128x128xf32, #tpu.memory_space<hbm>>
    %dma_start3A_339 = arith.constant 0 : i32
    %dma_start3A_340 = arith.constant 0 : i32
    %dma_start3A_341 = tpu.memref_slice %arg8[%dma_start3A_339, %dma_start3A_340] : memref<128x128xf32, #tpu.memory_space<vmem>> -> memref<128x128xf32, #tpu.memory_space<vmem>>
    tpu.enqueue_dma source(%dma_start3A_341 : memref<128x128xf32, #tpu.memory_space<vmem>>) target(%dma_start3A_338 : memref<128x128xf32, #tpu.memory_space<hbm>>) target_semaphore(%arg22 : memref<!tpu.dma_semaphore, #tpu.memory_space<semaphore_mem>>)
    %dma_wait3A_342 = arith.constant 10 : i32
    %dma_wait3A_343 = arith.constant 0 : i32
    %dma_wait3A_344 = tpu.memref_slice %arg5[%dma_wait3A_342, %dma_wait3A_343] : memref<13x128xi32, #tpu.memory_space<vmem>> -> memref<1x128xi32, #tpu.memory_space<vmem>>
    %dma_wait3A_345 = tpu.memref_squeeze %dma_wait3A_344 : memref<1x128xi32, #tpu.memory_space<vmem>> -> memref<128xi32, #tpu.memory_space<vmem>>
    %dma_wait3A_346 = arith.constant 0 : i32
    %dma_wait3A_347 = arith.constant 0 : i32
    %dma_wait3A_348 = tpu.memref_slice %arg2[%dma_wait3A_346, %dma_wait3A_347] : memref<204800x128xf32, #tpu.memory_space<hbm>> -> memref<204800x128xf32, #tpu.memory_space<hbm>>
    tpu.wait_indirect_dma semaphore(%arg16 : memref<!tpu.dma_semaphore, #tpu.memory_space<semaphore_mem>>) src(%dma_wait3A_348 : memref<204800x128xf32, #tpu.memory_space<hbm>>) dst(%arg9 : memref<128x128xf32, #tpu.memory_space<vmem>>)
    %add3A_349 = arith.constant 1280 : i32
    %add3A_350 = arith.addi %mul3A_2, %add3A_349 : i32
    %dma_start3A_351 = arith.constant 0 : i32
    %dma_start3A_352 = arith.constant 0 : i32
    %dma_start3A_353 = tpu.memref_slice %arg9[%dma_start3A_351, %dma_start3A_352] : memref<128x128xf32, #tpu.memory_space<vmem>> -> memref<128x128xf32, #tpu.memory_space<vmem>>
    %dma_start3A_354 = arith.constant 0 : i32
    %dma_start3A_355 = tpu.memref_slice %arg4[%add3A_350, %dma_start3A_354] : memref<51200x128xf32, #tpu.memory_space<hbm>> -> memref<128x128xf32, #tpu.memory_space<hbm>>
    %dma_start3A_356 = arith.constant 0 : i32
    %dma_start3A_357 = tpu.memref_slice %arg4[%add3A_350, %dma_start3A_356] : memref<51200x128xf32, #tpu.memory_space<hbm>> -> memref<128x128xf32, #tpu.memory_space<hbm>>
    %dma_start3A_358 = arith.constant 0 : i32
    %dma_start3A_359 = arith.constant 0 : i32
    %dma_start3A_360 = tpu.memref_slice %arg9[%dma_start3A_358, %dma_start3A_359] : memref<128x128xf32, #tpu.memory_space<vmem>> -> memref<128x128xf32, #tpu.memory_space<vmem>>
    tpu.enqueue_dma source(%dma_start3A_360 : memref<128x128xf32, #tpu.memory_space<vmem>>) target(%dma_start3A_357 : memref<128x128xf32, #tpu.memory_space<hbm>>) target_semaphore(%arg23 : memref<!tpu.dma_semaphore, #tpu.memory_space<semaphore_mem>>)
    %dma_wait3A_361 = arith.constant 11 : i32
    %dma_wait3A_362 = arith.constant 0 : i32
    %dma_wait3A_363 = tpu.memref_slice %arg5[%dma_wait3A_361, %dma_wait3A_362] : memref<13x128xi32, #tpu.memory_space<vmem>> -> memref<1x128xi32, #tpu.memory_space<vmem>>
    %dma_wait3A_364 = tpu.memref_squeeze %dma_wait3A_363 : memref<1x128xi32, #tpu.memory_space<vmem>> -> memref<128xi32, #tpu.memory_space<vmem>>
    %dma_wait3A_365 = arith.constant 0 : i32
    %dma_wait3A_366 = arith.constant 0 : i32
    %dma_wait3A_367 = tpu.memref_slice %arg2[%dma_wait3A_365, %dma_wait3A_366] : memref<204800x128xf32, #tpu.memory_space<hbm>> -> memref<204800x128xf32, #tpu.memory_space<hbm>>
    tpu.wait_indirect_dma semaphore(%arg17 : memref<!tpu.dma_semaphore, #tpu.memory_space<semaphore_mem>>) src(%dma_wait3A_367 : memref<204800x128xf32, #tpu.memory_space<hbm>>) dst(%arg10 : memref<128x128xf32, #tpu.memory_space<vmem>>)
    %add3A_368 = arith.constant 1408 : i32
    %add3A_369 = arith.addi %mul3A_2, %add3A_368 : i32
    %dma_start3A_370 = arith.constant 0 : i32
    %dma_start3A_371 = arith.constant 0 : i32
    %dma_start3A_372 = tpu.memref_slice %arg10[%dma_start3A_370, %dma_start3A_371] : memref<128x128xf32, #tpu.memory_space<vmem>> -> memref<128x128xf32, #tpu.memory_space<vmem>>
    %dma_start3A_373 = arith.constant 0 : i32
    %dma_start3A_374 = tpu.memref_slice %arg4[%add3A_369, %dma_start3A_373] : memref<51200x128xf32, #tpu.memory_space<hbm>> -> memref<128x128xf32, #tpu.memory_space<hbm>>
    %dma_start3A_375 = arith.constant 0 : i32
    %dma_start3A_376 = tpu.memref_slice %arg4[%add3A_369, %dma_start3A_375] : memref<51200x128xf32, #tpu.memory_space<hbm>> -> memref<128x128xf32, #tpu.memory_space<hbm>>
    %dma_start3A_377 = arith.constant 0 : i32
    %dma_start3A_378 = arith.constant 0 : i32
    %dma_start3A_379 = tpu.memref_slice %arg10[%dma_start3A_377, %dma_start3A_378] : memref<128x128xf32, #tpu.memory_space<vmem>> -> memref<128x128xf32, #tpu.memory_space<vmem>>
    tpu.enqueue_dma source(%dma_start3A_379 : memref<128x128xf32, #tpu.memory_space<vmem>>) target(%dma_start3A_376 : memref<128x128xf32, #tpu.memory_space<hbm>>) target_semaphore(%arg24 : memref<!tpu.dma_semaphore, #tpu.memory_space<semaphore_mem>>)
    %dma_wait3A_380 = arith.constant 12 : i32
    %dma_wait3A_381 = arith.constant 0 : i32
    %dma_wait3A_382 = tpu.memref_slice %arg5[%dma_wait3A_380, %dma_wait3A_381] : memref<13x128xi32, #tpu.memory_space<vmem>> -> memref<1x128xi32, #tpu.memory_space<vmem>>
    %dma_wait3A_383 = tpu.memref_squeeze %dma_wait3A_382 : memref<1x128xi32, #tpu.memory_space<vmem>> -> memref<128xi32, #tpu.memory_space<vmem>>
    %dma_wait3A_384 = arith.constant 0 : i32
    %dma_wait3A_385 = arith.constant 0 : i32
    %dma_wait3A_386 = tpu.memref_slice %arg2[%dma_wait3A_384, %dma_wait3A_385] : memref<204800x128xf32, #tpu.memory_space<hbm>> -> memref<204800x128xf32, #tpu.memory_space<hbm>>
    tpu.wait_indirect_dma semaphore(%arg18 : memref<!tpu.dma_semaphore, #tpu.memory_space<semaphore_mem>>) src(%dma_wait3A_386 : memref<204800x128xf32, #tpu.memory_space<hbm>>) dst(%arg11 : memref<128x128xf32, #tpu.memory_space<vmem>>)
    %add3A_387 = arith.constant 1536 : i32
    %add3A_388 = arith.addi %mul3A_2, %add3A_387 : i32
    %dma_start3A_389 = arith.constant 0 : i32
    %dma_start3A_390 = arith.constant 0 : i32
    %dma_start3A_391 = tpu.memref_slice %arg11[%dma_start3A_389, %dma_start3A_390] : memref<128x128xf32, #tpu.memory_space<vmem>> -> memref<64x128xf32, #tpu.memory_space<vmem>>
    %dma_start3A_392 = arith.constant 0 : i32
    %dma_start3A_393 = tpu.memref_slice %arg4[%add3A_388, %dma_start3A_392] : memref<51200x128xf32, #tpu.memory_space<hbm>> -> memref<64x128xf32, #tpu.memory_space<hbm>>
    %dma_start3A_394 = arith.constant 0 : i32
    %dma_start3A_395 = tpu.memref_slice %arg4[%add3A_388, %dma_start3A_394] : memref<51200x128xf32, #tpu.memory_space<hbm>> -> memref<64x128xf32, #tpu.memory_space<hbm>>
    %dma_start3A_396 = arith.constant 0 : i32
    %dma_start3A_397 = arith.constant 0 : i32
    %dma_start3A_398 = tpu.memref_slice %arg11[%dma_start3A_396, %dma_start3A_397] : memref<128x128xf32, #tpu.memory_space<vmem>> -> memref<64x128xf32, #tpu.memory_space<vmem>>
    tpu.enqueue_dma source(%dma_start3A_398 : memref<64x128xf32, #tpu.memory_space<vmem>>) target(%dma_start3A_395 : memref<64x128xf32, #tpu.memory_space<hbm>>) target_semaphore(%arg25 : memref<!tpu.dma_semaphore, #tpu.memory_space<semaphore_mem>>)
    %dma_wait3A_399 = arith.constant 0 : i32
    %dma_wait3A_400 = arith.constant 0 : i32
    %dma_wait3A_401 = tpu.memref_slice %arg12[%dma_wait3A_399, %dma_wait3A_400] : memref<128x128xf32, #tpu.memory_space<vmem>> -> memref<128x128xf32, #tpu.memory_space<vmem>>
    %dma_wait3A_402 = arith.constant 0 : i32
    %dma_wait3A_403 = tpu.memref_slice %arg4[%add3A_274, %dma_wait3A_402] : memref<51200x128xf32, #tpu.memory_space<hbm>> -> memref<128x128xf32, #tpu.memory_space<hbm>>
    %dma_wait3A_404 = arith.constant 0 : i32
    %dma_wait3A_405 = tpu.memref_slice %arg4[%add3A_274, %dma_wait3A_404] : memref<51200x128xf32, #tpu.memory_space<hbm>> -> memref<128x128xf32, #tpu.memory_space<hbm>>
    %dma_wait3A_406 = arith.constant 0 : i32
    %dma_wait3A_407 = arith.constant 0 : i32
    %dma_wait3A_408 = tpu.memref_slice %arg12[%dma_wait3A_406, %dma_wait3A_407] : memref<128x128xf32, #tpu.memory_space<vmem>> -> memref<128x128xf32, #tpu.memory_space<vmem>>
    tpu.wait_dma2 semaphore(%arg26 : memref<!tpu.dma_semaphore, #tpu.memory_space<semaphore_mem>>) src(%dma_wait3A_408 : memref<128x128xf32, #tpu.memory_space<vmem>>) dst(%dma_wait3A_405 : memref<128x128xf32, #tpu.memory_space<hbm>>)
    %dma_wait3A_409 = arith.constant 0 : i32
    %dma_wait3A_410 = arith.constant 0 : i32
    %dma_wait3A_411 = tpu.memref_slice %arg6[%dma_wait3A_409, %dma_wait3A_410] : memref<128x128xf32, #tpu.memory_space<vmem>> -> memref<128x128xf32, #tpu.memory_space<vmem>>
    %dma_wait3A_412 = arith.constant 0 : i32
    %dma_wait3A_413 = tpu.memref_slice %arg4[%add3A_293, %dma_wait3A_412] : memref<51200x128xf32, #tpu.memory_space<hbm>> -> memref<128x128xf32, #tpu.memory_space<hbm>>
    %dma_wait3A_414 = arith.constant 0 : i32
    %dma_wait3A_415 = tpu.memref_slice %arg4[%add3A_293, %dma_wait3A_414] : memref<51200x128xf32, #tpu.memory_space<hbm>> -> memref<128x128xf32, #tpu.memory_space<hbm>>
    %dma_wait3A_416 = arith.constant 0 : i32
    %dma_wait3A_417 = arith.constant 0 : i32
    %dma_wait3A_418 = tpu.memref_slice %arg6[%dma_wait3A_416, %dma_wait3A_417] : memref<128x128xf32, #tpu.memory_space<vmem>> -> memref<128x128xf32, #tpu.memory_space<vmem>>
    tpu.wait_dma2 semaphore(%arg20 : memref<!tpu.dma_semaphore, #tpu.memory_space<semaphore_mem>>) src(%dma_wait3A_418 : memref<128x128xf32, #tpu.memory_space<vmem>>) dst(%dma_wait3A_415 : memref<128x128xf32, #tpu.memory_space<hbm>>)
    %dma_wait3A_419 = arith.constant 0 : i32
    %dma_wait3A_420 = arith.constant 0 : i32
    %dma_wait3A_421 = tpu.memref_slice %arg7[%dma_wait3A_419, %dma_wait3A_420] : memref<128x128xf32, #tpu.memory_space<vmem>> -> memref<128x128xf32, #tpu.memory_space<vmem>>
    %dma_wait3A_422 = arith.constant 0 : i32
    %dma_wait3A_423 = tpu.memref_slice %arg4[%add3A_312, %dma_wait3A_422] : memref<51200x128xf32, #tpu.memory_space<hbm>> -> memref<128x128xf32, #tpu.memory_space<hbm>>
    %dma_wait3A_424 = arith.constant 0 : i32
    %dma_wait3A_425 = tpu.memref_slice %arg4[%add3A_312, %dma_wait3A_424] : memref<51200x128xf32, #tpu.memory_space<hbm>> -> memref<128x128xf32, #tpu.memory_space<hbm>>
    %dma_wait3A_426 = arith.constant 0 : i32
    %dma_wait3A_427 = arith.constant 0 : i32
    %dma_wait3A_428 = tpu.memref_slice %arg7[%dma_wait3A_426, %dma_wait3A_427] : memref<128x128xf32, #tpu.memory_space<vmem>> -> memref<128x128xf32, #tpu.memory_space<vmem>>
    tpu.wait_dma2 semaphore(%arg21 : memref<!tpu.dma_semaphore, #tpu.memory_space<semaphore_mem>>) src(%dma_wait3A_428 : memref<128x128xf32, #tpu.memory_space<vmem>>) dst(%dma_wait3A_425 : memref<128x128xf32, #tpu.memory_space<hbm>>)
    %dma_wait3A_429 = arith.constant 0 : i32
    %dma_wait3A_430 = arith.constant 0 : i32
    %dma_wait3A_431 = tpu.memref_slice %arg8[%dma_wait3A_429, %dma_wait3A_430] : memref<128x128xf32, #tpu.memory_space<vmem>> -> memref<128x128xf32, #tpu.memory_space<vmem>>
    %dma_wait3A_432 = arith.constant 0 : i32
    %dma_wait3A_433 = tpu.memref_slice %arg4[%add3A_331, %dma_wait3A_432] : memref<51200x128xf32, #tpu.memory_space<hbm>> -> memref<128x128xf32, #tpu.memory_space<hbm>>
    %dma_wait3A_434 = arith.constant 0 : i32
    %dma_wait3A_435 = tpu.memref_slice %arg4[%add3A_331, %dma_wait3A_434] : memref<51200x128xf32, #tpu.memory_space<hbm>> -> memref<128x128xf32, #tpu.memory_space<hbm>>
    %dma_wait3A_436 = arith.constant 0 : i32
    %dma_wait3A_437 = arith.constant 0 : i32
    %dma_wait3A_438 = tpu.memref_slice %arg8[%dma_wait3A_436, %dma_wait3A_437] : memref<128x128xf32, #tpu.memory_space<vmem>> -> memref<128x128xf32, #tpu.memory_space<vmem>>
    tpu.wait_dma2 semaphore(%arg22 : memref<!tpu.dma_semaphore, #tpu.memory_space<semaphore_mem>>) src(%dma_wait3A_438 : memref<128x128xf32, #tpu.memory_space<vmem>>) dst(%dma_wait3A_435 : memref<128x128xf32, #tpu.memory_space<hbm>>)
    %dma_wait3A_439 = arith.constant 0 : i32
    %dma_wait3A_440 = arith.constant 0 : i32
    %dma_wait3A_441 = tpu.memref_slice %arg9[%dma_wait3A_439, %dma_wait3A_440] : memref<128x128xf32, #tpu.memory_space<vmem>> -> memref<128x128xf32, #tpu.memory_space<vmem>>
    %dma_wait3A_442 = arith.constant 0 : i32
    %dma_wait3A_443 = tpu.memref_slice %arg4[%add3A_350, %dma_wait3A_442] : memref<51200x128xf32, #tpu.memory_space<hbm>> -> memref<128x128xf32, #tpu.memory_space<hbm>>
    %dma_wait3A_444 = arith.constant 0 : i32
    %dma_wait3A_445 = tpu.memref_slice %arg4[%add3A_350, %dma_wait3A_444] : memref<51200x128xf32, #tpu.memory_space<hbm>> -> memref<128x128xf32, #tpu.memory_space<hbm>>
    %dma_wait3A_446 = arith.constant 0 : i32
    %dma_wait3A_447 = arith.constant 0 : i32
    %dma_wait3A_448 = tpu.memref_slice %arg9[%dma_wait3A_446, %dma_wait3A_447] : memref<128x128xf32, #tpu.memory_space<vmem>> -> memref<128x128xf32, #tpu.memory_space<vmem>>
    tpu.wait_dma2 semaphore(%arg23 : memref<!tpu.dma_semaphore, #tpu.memory_space<semaphore_mem>>) src(%dma_wait3A_448 : memref<128x128xf32, #tpu.memory_space<vmem>>) dst(%dma_wait3A_445 : memref<128x128xf32, #tpu.memory_space<hbm>>)
    %dma_wait3A_449 = arith.constant 0 : i32
    %dma_wait3A_450 = arith.constant 0 : i32
    %dma_wait3A_451 = tpu.memref_slice %arg10[%dma_wait3A_449, %dma_wait3A_450] : memref<128x128xf32, #tpu.memory_space<vmem>> -> memref<128x128xf32, #tpu.memory_space<vmem>>
    %dma_wait3A_452 = arith.constant 0 : i32
    %dma_wait3A_453 = tpu.memref_slice %arg4[%add3A_369, %dma_wait3A_452] : memref<51200x128xf32, #tpu.memory_space<hbm>> -> memref<128x128xf32, #tpu.memory_space<hbm>>
    %dma_wait3A_454 = arith.constant 0 : i32
    %dma_wait3A_455 = tpu.memref_slice %arg4[%add3A_369, %dma_wait3A_454] : memref<51200x128xf32, #tpu.memory_space<hbm>> -> memref<128x128xf32, #tpu.memory_space<hbm>>
    %dma_wait3A_456 = arith.constant 0 : i32
    %dma_wait3A_457 = arith.constant 0 : i32
    %dma_wait3A_458 = tpu.memref_slice %arg10[%dma_wait3A_456, %dma_wait3A_457] : memref<128x128xf32, #tpu.memory_space<vmem>> -> memref<128x128xf32, #tpu.memory_space<vmem>>
    tpu.wait_dma2 semaphore(%arg24 : memref<!tpu.dma_semaphore, #tpu.memory_space<semaphore_mem>>) src(%dma_wait3A_458 : memref<128x128xf32, #tpu.memory_space<vmem>>) dst(%dma_wait3A_455 : memref<128x128xf32, #tpu.memory_space<hbm>>)
    %dma_wait3A_459 = arith.constant 0 : i32
    %dma_wait3A_460 = arith.constant 0 : i32
    %dma_wait3A_461 = tpu.memref_slice %arg11[%dma_wait3A_459, %dma_wait3A_460] : memref<128x128xf32, #tpu.memory_space<vmem>> -> memref<64x128xf32, #tpu.memory_space<vmem>>
    %dma_wait3A_462 = arith.constant 0 : i32
    %dma_wait3A_463 = tpu.memref_slice %arg4[%add3A_388, %dma_wait3A_462] : memref<51200x128xf32, #tpu.memory_space<hbm>> -> memref<64x128xf32, #tpu.memory_space<hbm>>
    %dma_wait3A_464 = arith.constant 0 : i32
    %dma_wait3A_465 = tpu.memref_slice %arg4[%add3A_388, %dma_wait3A_464] : memref<51200x128xf32, #tpu.memory_space<hbm>> -> memref<64x128xf32, #tpu.memory_space<hbm>>
    %dma_wait3A_466 = arith.constant 0 : i32
    %dma_wait3A_467 = arith.constant 0 : i32
    %dma_wait3A_468 = tpu.memref_slice %arg11[%dma_wait3A_466, %dma_wait3A_467] : memref<128x128xf32, #tpu.memory_space<vmem>> -> memref<64x128xf32, #tpu.memory_space<vmem>>
    tpu.wait_dma2 semaphore(%arg25 : memref<!tpu.dma_semaphore, #tpu.memory_space<semaphore_mem>>) src(%dma_wait3A_468 : memref<64x128xf32, #tpu.memory_space<vmem>>) dst(%dma_wait3A_465 : memref<64x128xf32, #tpu.memory_space<hbm>>)
    return
  }
}

</mosaic_0001>

<sc_bundles>
// kernel: kernel.3.cloned.1.call-start
scs
__scs_entry_jumppad:
0x0: {  	(pc) =	sbr.rel $0x88, $3  }
0x1: {  	(tag) =	ssettag $0x0;
	lr =	simm.s32 $0x1  }
0x2: {  	[smem:$0x3F9F] =	sst lr;
	_ =	strace $0xD0000000  }
0x3: {  	_ = 	snop  }
0x4: {  	_ = 	snop  }
0x5: {  	_ = 	snop  }
0x6: {  	_ = 	snop  }
0x7: {  	_ = 	snop  }
__scs_overlays_trampoline_lowered:
0x8: {  	[smem:$0x3FAE] =	sst s0  }
0x9: {  	[smem:$0x3FAF] =	sst s1  }
0xa: {  	[smem:$0x3FB0] =	sst s2  }
0xb: {  	[smem:$0x3FB1] =	sst s3  }
0xc: {  	[smem:$0x3FB2] =	sst s4  }
0xd: {  	[smem:$0x3FB3] =	sst s5  }
0xe: {  	[smem:$0x3FB4] =	sst s6  }
0xf: {  	[smem:$0x3FB5] =	sst s7  }
0x10: {  	[smem:$0x3FB6] =	sst s8  }
0x11: {  	[smem:$0x3FB7] =	sst s9;
	s0 =	simm.s32 @!p0 $0x0  }
0x12: {  	s1 =	sld [smem:$0x3F9D];
	s0 =	simm.s32 @p0 $0x1  }
0x13: {  	[smem:$0x3FB8] =	sst s0;
	s0 =	simm.s32 @!p1 $0x0  }
0x14: {  	s2 =	sld [smem:$0x3F9C];
	s0 =	simm.s32 @p1 $0x1  }
0x15: {  	[smem:$0x3FB9] =	sst s0;
	s0 =	simm.s32 @!p2 $0x0  }
0x16: {  	s3 =	sld [smem:$0x3FDB];
	s0 =	simm.s32 @p2 $0x1  }
0x17: {  	s4 =	simm.s32 $0x1BF5;
	[smem:$0x3FBB] =	sst s0  }
0x18: {  	s0 =	sld [smem:$0x3F9E];
	_ =	swait.ge [sflag:s4], $0x0  }
0x19: {  	s7 =	sld [smem:$0x3F9F]  }
0x1a: {  	s8 =	sadd.s32 $0xFFFFE003, lr  }
0x1b: {  	s9 =	sadd.s32 $0xFFFFFEF7, lr;
	s5 =	simm.s32 $0xFFFFFFFF;
	p2 =	slt.u32 s8, $0xFFFFF086  }
0x1c: {  	p1 =	slt.u32 s9, $0xF7A;
	s5 =	simm.s32 @!p2 $0x0  }
0x1d: {  	s5 =	simm.s32 @p1 $0x1;
	p0 =	seq.s32 s7, s2  }
0x1e: {  	s7 =	smul.u32 @!p0 $0xF7A, s2;
	p2 =	seq.s32 @!p0 s5, $0x0  }
0x1f: {  	s9 =	smul.u32 $0xF7A, s1;
	s8 =	simm.s32 @!p0 $0x1BF5;
	p2 =	por !p2, p0  }
0x20: {  	[sflag:s8] =	ssyncset.s32 @!p0 $0xFFFFF086;
	s6 =	sadd.s32 @!p0 s3, s7;
	s7 =	simm.s32 @!p0 $0x108  }
0x21: {  	s3 =	sadd.s32 s3, s9;
	s6 =	sadd.s32 @!p0 $0x88, s6;
	s7 =	simm.s32 @p2 $0x1082  }
0x22: {  	[simem:s7], [sflag:s8] =	dma.local @!p0 [hbm:s6], $0xF7A  }
0x23: {  	s9 =	sor.u32 $0xD0000000, s2;
	s6 =	simm.s32 $0x108;
	_ =	swait.ge @!p0 [sflag:s8], $0x0  }
0x24: {  	s3 =	sadd.s32 $0x88, s3;
	s6 =	simm.s32 @!p1 $0x1082;
	[sflag:s4] =	ssyncset.s32 $0xFFFFF086  }
0x25: {  	[simem:s6], [sflag:s4] =	dma.local [hbm:s3], $0xF7A  }
0x26: {  	[smem:$0x3F9F] =	sst s1;
	(tag) =	ssettag s2;
	_ =	strace s9  }
0x27: {  	s1 =	sld [smem:$0x3FAF]  }
0x28: {  	s2 =	sld [smem:$0x3FB0]  }
0x29: {  	s4 =	sld [smem:$0x3FB2]  }
0x2a: {  	p0 =	seq.s32 s5, $0x0;
	s5 =	sld [smem:$0x3FB3]  }
0x2b: {  	s6 =	sld [smem:$0x3FB4]  }
0x2c: {  	s7 =	sld [smem:$0x3FB5]  }
0x2d: {  	s3 =	simm.s32 $0x108;
	s8 =	sld [smem:$0x3FB6]  }
0x2e: {  	s3 =	simm.s32 @!p0 $0x1082;
	s9 =	sld [smem:$0x3FB7]  }
0x2f: {  	lr =	sadd.s32 s0, s3;
	s0 =	sld [smem:$0x3FAE]  }
0x30: {  	s3 =	sld [smem:$0x3FB1]  }
0x31: {  	[smem:$0x3FBA] =	sst s10  }
0x32: {  	s10 =	sld [smem:$0x3FB8];
	_ =	sdelay $0x3  }
0x33: {  	p0 =	seq.s32 s10, $0x1;
	s10 =	sld [smem:$0x3FBA];
	_ =	sdelay $0x3  }
0x34: {  	[smem:$0x3FBA] =	sst s10  }
0x35: {  	s10 =	sld [smem:$0x3FB9];
	_ =	sdelay $0x3  }
0x36: {  	p1 =	seq.s32 s10, $0x1;
	s10 =	sld [smem:$0x3FBA];
	_ =	sdelay $0x3  }
0x37: {  	[smem:$0x3FBA] =	sst s10  }
0x38: {  	s10 =	sld [smem:$0x3FBB]  }
0x39: {  	_ = 	snop;
	(pc) =	sbr.ind lr, $3  }
0x3a: {  	_ = 	snop  }
0x3b: {  	_ = 	snop  }
0x3c: {  	p2 =	seq.s32 s10, $0x1;
	s10 =	sld [smem:$0x3FBA]  }
0x3d: {  	_ =	shalt  }
0x3e: {  	_ =	shalt  }
0x3f: {  	_ =	shalt  }
0x40: {  	_ =	shalt  }
0x41: {  	_ =	shalt  }
0x42: {  	_ =	shalt  }
0x43: {  	_ =	shalt  }
0x44: {  	_ =	shalt  }
0x45: {  	_ =	shalt  }
0x46: {  	_ =	shalt  }
0x47: {  	_ =	shalt  }
0x48: {  	_ =	shalt  }
0x49: {  	_ =	shalt  }
0x4a: {  	_ =	shalt  }
0x4b: {  	_ =	shalt  }
0x4c: {  	_ =	shalt  }
0x4d: {  	_ =	shalt  }
0x4e: {  	_ =	shalt  }
0x4f: {  	_ =	shalt  }
0x50: {  	_ =	shalt  }
0x51: {  	_ =	shalt  }
0x52: {  	_ =	shalt  }
0x53: {  	_ =	shalt  }
0x54: {  	_ =	shalt  }
0x55: {  	_ =	shalt  }
0x56: {  	_ =	shalt  }
0x57: {  	_ =	shalt  }
0x58: {  	_ =	shalt  }
0x59: {  	_ =	shalt  }
0x5a: {  	_ =	shalt  }
0x5b: {  	_ =	shalt  }
0x5c: {  	_ =	shalt  }
0x5d: {  	_ =	shalt  }
0x5e: {  	_ =	shalt  }
0x5f: {  	_ =	shalt  }
0x60: {  	_ =	shalt  }
0x61: {  	_ =	shalt  }
0x62: {  	_ =	shalt  }
0x63: {  	_ =	shalt  }
0x64: {  	_ =	shalt  }
0x65: {  	_ =	shalt  }
0x66: {  	_ =	shalt  }
0x67: {  	_ =	shalt  }
0x68: {  	_ =	shalt  }
0x69: {  	_ =	shalt  }
0x6a: {  	_ =	shalt  }
0x6b: {  	_ =	shalt  }
0x6c: {  	_ =	shalt  }
0x6d: {  	_ =	shalt  }
0x6e: {  	_ =	shalt  }
0x6f: {  	_ =	shalt  }
0x70: {  	_ =	shalt  }
0x71: {  	_ =	shalt  }
0x72: {  	_ =	shalt  }
0x73: {  	_ =	shalt  }
0x74: {  	_ =	shalt  }
0x75: {  	_ =	shalt  }
0x76: {  	_ =	shalt  }
0x77: {  	_ =	shalt  }
0x78: {  	_ =	shalt  }
0x79: {  	_ =	shalt  }
0x7a: {  	_ =	shalt  }
0x7b: {  	_ =	shalt  }
0x7c: {  	_ =	shalt  }
0x7d: {  	_ =	shalt  }
0x7e: {  	_ =	shalt  }
0x7f: {  	_ =	shalt  }
0x80: {  	_ =	shalt  }
0x81: {  	_ =	shalt  }
0x82: {  	_ =	shalt  }
0x83: {  	_ =	shalt  }
0x84: {  	_ =	shalt  }
0x85: {  	_ =	shalt  }
0x86: {  	_ =	shalt  }
0x87: {  	_ =	shalt  }
.Lfunc_end0:
.L_simem_size_0:
called_computation_lowered:
.L_overlay_start_0:
0x88: {  	s2 =	sld [smem:$0x3FD9]  }
0x89: {  	s3 =	sld [smem:$0x3FFE];
	_ =	sdelay $0x1  }
0x8a: {  	s1 =	srdreg.scid  }
0x8b: {  	s0 =	sand.u32 $0x1, s1  }
0x8c: {  	s17 =	sshll.u32 s0, $0xA;
	s2 =	sadd.s32 s3, s2  }
0x8d: {  	s2 =	sadd.s32 s2, s17  }
0x8e: {  	[smem:$0x3FC6] =	sst s2  }
0x8f: {  	_ = 	snop  }
0x90: {  	s2 =	sld [smem:$0x3FC9]  }
0x91: {  	s18 =	sld [smem:$0x3FD0];
	(tm) =	ssettm $0x1  }
0x92: {  	s4 =	sld [smem:$0x3FFB];
	_ =	sdelay $0x3  }
0x93: {  	_ =	strace s4  }
0x94: {  	s4 =	sld [smem:$0x3FFC];
	_ =	sdelay $0x3  }
0x95: {  	_ =	strace s4  }
0x96: {  	s4 =	sld [smem:$0x3FFD];
	_ =	sdelay $0x3  }
0x97: {  	_ =	strace s4  }
0x98: {  	_ =	strace $0x8FFFFFFF  }
0x99: {  	s19 =	sld [smem:$0x3FDB];
	_ =	sdelay $0x1  }
0x9a: {  	s5 =	simm.s32 $_scs_section_size  }
0x9b: {  	s6 =	simm.s32 $_size__tile_overlayer_lowered;
	s7 =	simm.s32 $_tile_overlayer_lowered  }
0x9c: {  	s22 =	simm.s32 $0x1BFF;
	s21 =	sshll.u32 s7, $0x1;
	s4 =	sadd.s32 s5, s19  }
0x9d: {  	s8 =	simm.s32 $0x0;
	s20 =	sshll.u32 s6, $0x1;
	s6 =	sadd.s32 s21, s4  }
0x9e: {  	[timem:s8], [sflag:s22] =	dma.local [hbm:s6], s20  }
0x9f: {  	_ =	swait.ge [sflag:s22], s20  }
0xa0: {  	s5 =	ssub.s32 $0x0, s20;
	[sflag:s22] =	ssyncset.done $0x0  }
0xa1: {  	[sflag:s22] =	ssyncadd.s32 s5;
	_ =	sdelay $0x1  }
0xa2: {  	s23 =	simm.s32 $0x1B8B  }
0xa3: {  	_ =	swait.ge [sflag:s23], $0x1  }
0xa4: {  	[sflag:s23] =	ssyncset.done $0x0  }
0xa5: {  	s25 =	simm.s32 $0x1B8E;
	s24 =	sld [smem:$0x3FFE];
	[sflag:s23] =	ssyncadd.s32 $0xFFFFFFFF  }
0xa6: {  	s26 =	simm.s32 $execute0_lowered;
	[smem:$0x3FD2] =	sst s25  }
0xa7: {  	s6 =	sshll.u32 s26, $0x1;
	_ =	strace $0x80000046;
	[dreg:$0x1] =	wrdreg $0xFFFFFFFF  }
0xa8: {  	s28 =	simm.s32 $_size_execute0_lowered;
	s4 =	sadd.s32 s4, s6;
	[dreg:$0x0] =	wrdreg $0x0  }
0xa9: {  	s6 =	sshll.u32 s28, $0x1;
	[dreg:$0x2] =	wrdreg s4  }
0xaa: {  	[dreg:$0x3] =	wrdreg s6  }
0xab: {  	[dreg:$0x4] =	wrdreg $0xC0  }
0xac: {  	_ =	task [dreg:s8], $0x5FFFF  }
0xad: {  	[dreg:$0x1] =	wrdreg $0xFFFFFFFF  }
0xae: {  	[dreg:$0x0] =	wrdreg $0x60  }
0xaf: {  	[dreg:$0x2] =	wrdreg s2  }
0xb0: {  	[dreg:$0x3] =	wrdreg s24  }
0xb1: {  	[dreg:$0x4] =	wrdreg s18  }
0xb2: {  	[dreg:$0x5] =	wrdreg $0x9  }
0xb3: {  	_ =	task.clear_ibuf [dreg:s8], $0x6FFFF;
	_ =	strace $0x90000046  }
0xb4: {  	s29 =	simm.s32 $0x9;
	_ =	strace $0x80000048  }
0xb5: {  	_ =	swait.ge [sflag:s29], $0x1  }
0xb6: {  	[sflag:s29] =	ssyncadd.s32 $0xFFFFFFFF  }
0xb7: {  	_ =	strace $0x90000048  }
0xb8: {  	_ =	sfence  }
0xb9: {  	s30 =	sld [smem:$0x0];
	_ =	sdelay $0x2  }
0xba: {  	s31 =	sshll.u32 s1, $0xD;
	s1 =	sshrl.u32 s1, $0x2  }
0xbb: {  	s3 =	sand.u32 $0x4000, s31;
	s1 =	sadd.s32 s1, s30  }
0xbc: {  	s0 =	sor.u32 s3, s0;
	s1 =	sshll.u32 s1, $0x11  }
0xbd: {  	s0 =	sor.u32 s1, s0  }
0xbe: {  	s0 =	sadd.s32 $0x8F2B, s0  }
0xbf: {  	[sflag:s0] =	ssyncadd.remote.s32 $0x1  }
0xc0: {  	_ =	sfence.sel $0xFFFF  }
0xc1: {  	[dreg:$0x0] =	wrdreg $0xFFFFFFFF;
	(pc) =	sbr.abs _section_cstart, $3  }
0xc2: {  	[dreg:$0x1] =	wrdreg $0xFFFFFFFF  }
0xc3: {  	_ =	task.clear_ibuf [dreg:s8], $0x2FFFF;
	_ =	strace $0x9FFFFFFF  }
0xc4: {  	(tm) =	ssettm $0x7FFFFFFF  }
0xc5: {  	_ =	shalt  }
tec
execute0_lowered:
.L_overlay_start_1:
0x0: {  	(tag) =	ssettag $0x1  }
0x1: {  	s3 =	rddreg [dreg:$0x0]  }
0x2: {  	s0 =	rddreg [dreg:$0x1]  }
0x3: {  	s1 =	srdreg.scid;
	s2 =	stileid.u32  }
0x4: {  	s4 =	rddreg [dreg:$0x2];
	s31 =	simm.s32 $0xF;
	s20 =	simm.s32 $0x100  }
0x5: {  	s21 =	simm.s32 $0x180;
	s1 =	sand.u32 $0x1, s1;
	s2 =	sshll.u32 s2, $0x1  }
0x6: {  	s22 =	simm.s32 $0x200;
	s5 =	sor.u32 s1, s2;
	s2 =	simm.s32 $0x0  }
0x7: {  	s23 =	simm.s32 $0x280;
	s24 =	simm.s32 $0x300;
	[smem:$0x7FF] =	sst s2  }
0x8: {  	s25 =	simm.s32 $0x380;
	_ =	strace $0x80000047;
	[dreg:$0x12] =	wrdreg s20  }
0x9: {  	s30 =	simm.s32 $0x500;
	p0 =	por $0x0, $0x0;
	[dreg:$0x13] =	wrdreg s21  }
0xa: {  	s29 =	simm.s32 $0x580;
	s1 =	ssub.s32 $0x2, s1;
	[dreg:$0x14] =	wrdreg s22  }
0xb: {  	s6 =	sshll.u32 s5, $0x8;
	s7 =	smul.u32 $0x32000, s5;
	[dreg:$0x15] =	wrdreg s23  }
0xc: {  	s5 =	smul.u32 $0x6400, s5;
	s0 =	sadd.s32 s6, s0;
	[dreg:$0x16] =	wrdreg s24  }
0xd: {  	s16 =	sshrl.u32 s1, $0x1;
	[dreg:$0x17] =	wrdreg s25;
	s0 =	sadd.s32 $0x400, s0  }
0xe: {  	s26 =	sshrl.u32 s7, $0x3;
	s5 =	sadd.s32 s4, s5;
	[dreg:$0x4] =	wrdreg s0  }
0xf: {  	s4 =	sadd.s32 s4, s26;
	[dreg:$0x5] =	wrdreg s5;
	s26 =	simm.s32 $0x400  }
0x10: {  	s28 =	simm.s32 $0x600;
	s1 =	ssub.s32 s1, s16;
	[dreg:$0x18] =	wrdreg s26  }
0x11: {  	s16 =	simm.s32 $0x80;
	s6 =	sadd.s32 $0x800, s4;
	s0 =	rddreg [dreg:$0x4]  }
0x12: {  	s24 =	simm.s32 $0x18800;
	s7 =	sadd.s32 $0x1000, s4;
	[dreg:$0x6] =	wrdreg s6  }
0x13: {  	s22 =	simm.s32 $0x1;
	s8 =	sadd.s32 $0x1800, s4;
	[dreg:$0x7] =	wrdreg s7  }
0x14: {  	s23 =	simm.s32 $0x2;
	s9 =	sadd.s32 $0x2000, s4;
	[dreg:$0x8] =	wrdreg s8  }
0x15: {  	s21 =	simm.s32 $0x3;
	s10 =	sadd.s32 $0x2800, s4;
	[dreg:$0x9] =	wrdreg s9  }
0x16: {  	s20 =	simm.s32 $0x4;
	s11 =	sadd.s32 $0x3000, s4;
	[dreg:$0xa] =	wrdreg s10  }
0x17: {  	s25 =	simm.s32 $0x7;
	s12 =	sadd.s32 $0x3800, s4;
	[dreg:$0xb] =	wrdreg s11  }
0x18: {  	s19 =	smax.u32 s1, $0x1;
	s13 =	sadd.s32 $0x4000, s4;
	[dreg:$0xc] =	wrdreg s12  }
0x19: {  	s5 =	simm.s32 $0x14800;
	s14 =	sadd.s32 $0x4800, s4;
	[dreg:$0xd] =	wrdreg s13  }
0x1a: {  	p1 =	sne.s32 s19, $0x1;
	s15 =	sadd.s32 $0x5000, s4;
	[dreg:$0xe] =	wrdreg s14  }
0x1b: {  	s17 =	sadd.s32 $0x5800, s4;
	s18 =	sadd.s32 $0x6000, s4;
	[dreg:$0xf] =	wrdreg s15  }
0x1c: {  	s4 =	simm.s32 $0x8;
	s26 =	sadd.s32 $0xFFFFFFFF, s19;
	[dreg:$0x10] =	wrdreg s17  }
.Ltmp0:
0x1d: {  	s19 =	simm.s32 $0xE;
	[dreg:$0x11] =	wrdreg s18;
	(pc) =	sbr.rel @!p1 .LBB2_1-.Ltmp0, $4  }
0x1e: {  	s15 =	simm.s32 $0x800;
	s14 =	simm.s32 $0x4800;
	s13 =	simm.s32 $0x8800  }
0x1f: {  	s12 =	simm.s32 $0xC800;
	s11 =	simm.s32 $0x10800;
	s6 =	simm.s32 $0x9  }
0x20: {  	s7 =	simm.s32 $0xA;
	s8 =	simm.s32 $0xB;
	s17 =	simm.s32 $0x5  }
0x21: {  	s9 =	simm.s32 $0xC;
	s18 =	simm.s32 $0x6;
	s10 =	simm.s32 $0xD  }
0x22: {  	[tilespmem:s2], [sflag:$0xF] =	stream.linear.gather [hbm4b:s0+s2], $0x680, $0x38;
	[tilespmem:$0x1C800] =	vst v63  }
0x23: {  	_ =	swait.ge [sflag:s31], $0x680  }
0x24: {  	[sflag:s31] =	ssyncset.done $0x0  }
0x25: {  	[sflag:s31] =	ssyncadd.s32 $0xFFFFF980  }
0x26: {  	[tilespmem:s15], [sflag:$0x1] =	stream.indirect.gather [hbm4b:s3+s16], $0x80, s2, s16, $0xb8;
	[tilespmem:$0x1C800] =	vst v63  }
0x27: {  	_ = 	snop  }
0x28: {  	[tilespmem:s14], [sflag:$0x2] =	stream.indirect.gather [hbm4b:s3+s16], $0x80, s16, s16, $0xb8;
	[tilespmem:$0x1C800] =	vst v63  }
0x29: {  	s0 =	rddreg [dreg:$0x12]  }
0x2a: {  	[tilespmem:s13], [sflag:$0x3] =	stream.indirect.gather [hbm4b:s3+s16], $0x80, s0, s16, $0xb8;
	[tilespmem:$0x1C800] =	vst v63  }
0x2b: {  	s1 =	rddreg [dreg:$0x13]  }
0x2c: {  	[tilespmem:s12], [sflag:$0x4] =	stream.indirect.gather [hbm4b:s3+s16], $0x80, s1, s16, $0xb8;
	[tilespmem:$0x1C800] =	vst v63  }
0x2d: {  	s0 =	rddreg [dreg:$0x14]  }
0x2e: {  	[tilespmem:s11], [sflag:$0x5] =	stream.indirect.gather [hbm4b:s3+s16], $0x80, s0, s16, $0xb8;
	[tilespmem:$0x1C800] =	vst v63  }
0x2f: {  	s1 =	rddreg [dreg:$0x15]  }
0x30: {  	[tilespmem:s5], [sflag:$0x6] =	stream.indirect.gather [hbm4b:s3+s16], $0x80, s1, s16, $0xb8;
	[tilespmem:$0x1C800] =	vst v63  }
0x31: {  	s0 =	rddreg [dreg:$0x16]  }
0x32: {  	[tilespmem:s24], [sflag:$0x7] =	stream.indirect.gather [hbm4b:s3+s16], $0x80, s0, s16, $0xb8;
	[tilespmem:$0x1C800] =	vst v63  }
0x33: {  	_ =	swait.ge [sflag:s22], $0x4000  }
0x34: {  	[sflag:s22] =	ssyncset.done $0x0  }
0x35: {  	s1 =	rddreg [dreg:$0x5];
	[sflag:s22] =	ssyncadd.s32 $0xFFFFC000  }
0x36: {  	[hbm4b:s1+s2] =	stream.linear.scatter [tilespmem:s15], [sflag:$0x8], $0x4000, $0x38;
	[tilespmem:$0x1C800] =	vst v63  }
0x37: {  	_ =	swait.ge [sflag:s4], $0x4000  }
0x38: {  	[sflag:s4] =	ssyncset.done $0x0  }
0x39: {  	s1 =	rddreg [dreg:$0x17];
	[sflag:s4] =	ssyncadd.s32 $0xFFFFC000  }
0x3a: {  	[tilespmem:s15], [sflag:$0x1] =	stream.indirect.gather [hbm4b:s3+s16], $0x80, s1, s16, $0xb8;
	[tilespmem:$0x1C800] =	vst v63  }
0x3b: {  	_ =	swait.ge [sflag:s23], $0x4000  }
0x3c: {  	[sflag:s23] =	ssyncset.done $0x0  }
0x3d: {  	s1 =	rddreg [dreg:$0x6];
	[sflag:s23] =	ssyncadd.s32 $0xFFFFC000  }
0x3e: {  	[hbm4b:s1+s2] =	stream.linear.scatter [tilespmem:s14], [sflag:$0x9], $0x4000, $0x38;
	[tilespmem:$0x1C800] =	vst v63  }
0x3f: {  	_ =	swait.ge [sflag:s6], $0x4000  }
0x40: {  	[sflag:s6] =	ssyncset.done $0x0  }
0x41: {  	s1 =	rddreg [dreg:$0x18];
	[sflag:s6] =	ssyncadd.s32 $0xFFFFC000  }
0x42: {  	[tilespmem:s14], [sflag:$0x2] =	stream.indirect.gather [hbm4b:s3+s16], $0x80, s1, s16, $0xb8;
	[tilespmem:$0x1C800] =	vst v63  }
0x43: {  	_ =	swait.ge [sflag:s21], $0x4000  }
0x44: {  	[sflag:s21] =	ssyncset.done $0x0  }
0x45: {  	s1 =	rddreg [dreg:$0x7];
	[sflag:s21] =	ssyncadd.s32 $0xFFFFC000  }
0x46: {  	[hbm4b:s1+s2] =	stream.linear.scatter [tilespmem:s13], [sflag:$0xA], $0x4000, $0x38;
	[tilespmem:$0x1C800] =	vst v63  }
0x47: {  	_ =	swait.ge [sflag:s7], $0x4000  }
0x48: {  	[sflag:s7] =	ssyncset.done $0x0  }
0x49: {  	s1 =	simm.s32 $0x480;
	[sflag:s7] =	ssyncadd.s32 $0xFFFFC000  }
0x4a: {  	[tilespmem:s13], [sflag:$0x3] =	stream.indirect.gather [hbm4b:s3+s16], $0x80, s1, s16, $0xb8;
	[tilespmem:$0x1C800] =	vst v63  }
0x4b: {  	_ =	swait.ge [sflag:s20], $0x4000  }
0x4c: {  	[sflag:s20] =	ssyncset.done $0x0  }
0x4d: {  	s1 =	rddreg [dreg:$0x8];
	[sflag:s20] =	ssyncadd.s32 $0xFFFFC000  }
0x4e: {  	[hbm4b:s1+s2] =	stream.linear.scatter [tilespmem:s12], [sflag:$0xB], $0x4000, $0x38;
	[tilespmem:$0x1C800] =	vst v63  }
0x4f: {  	_ =	swait.ge [sflag:s8], $0x4000  }
0x50: {  	[sflag:s8] =	ssyncset.done $0x0  }
0x51: {  	[sflag:s8] =	ssyncadd.s32 $0xFFFFC000  }
0x52: {  	[tilespmem:s12], [sflag:$0x4] =	stream.indirect.gather [hbm4b:s3+s16], $0x80, s30, s16, $0xb8;
	[tilespmem:$0x1C800] =	vst v63  }
0x53: {  	_ =	swait.ge [sflag:s17], $0x4000  }
0x54: {  	[sflag:s17] =	ssyncset.done $0x0  }
0x55: {  	s1 =	rddreg [dreg:$0x9];
	[sflag:s17] =	ssyncadd.s32 $0xFFFFC000  }
0x56: {  	[hbm4b:s1+s2] =	stream.linear.scatter [tilespmem:s11], [sflag:$0xC], $0x4000, $0x38;
	[tilespmem:$0x1C800] =	vst v63  }
0x57: {  	_ =	swait.ge [sflag:s9], $0x4000  }
0x58: {  	[sflag:s9] =	ssyncset.done $0x0  }
0x59: {  	[sflag:s9] =	ssyncadd.s32 $0xFFFFC000  }
0x5a: {  	[tilespmem:s11], [sflag:$0x5] =	stream.indirect.gather [hbm4b:s3+s16], $0x80, s29, s16, $0xb8;
	[tilespmem:$0x1C800] =	vst v63  }
0x5b: {  	_ =	swait.ge [sflag:s18], $0x4000  }
0x5c: {  	[sflag:s18] =	ssyncset.done $0x0  }
0x5d: {  	s1 =	rddreg [dreg:$0xa];
	[sflag:s18] =	ssyncadd.s32 $0xFFFFC000  }
0x5e: {  	[hbm4b:s1+s2] =	stream.linear.scatter [tilespmem:s5], [sflag:$0xD], $0x4000, $0x38;
	[tilespmem:$0x1C800] =	vst v63  }
0x5f: {  	_ =	swait.ge [sflag:s10], $0x4000  }
0x60: {  	[sflag:s10] =	ssyncset.done $0x0  }
0x61: {  	[sflag:s10] =	ssyncadd.s32 $0xFFFFC000  }
0x62: {  	[tilespmem:s5], [sflag:$0x6] =	stream.indirect.gather [hbm4b:s3+s16], $0x80, s28, s16, $0xb8;
	[tilespmem:$0x1C800] =	vst v63  }
0x63: {  	_ =	swait.ge [sflag:s25], $0x4000  }
0x64: {  	[sflag:s25] =	ssyncset.done $0x0  }
0x65: {  	s1 =	rddreg [dreg:$0xb];
	[sflag:s25] =	ssyncadd.s32 $0xFFFFC000  }
0x66: {  	[hbm4b:s1+s2] =	stream.linear.scatter [tilespmem:s24], [sflag:$0xE], $0x4000, $0x38;
	[tilespmem:$0x1C800] =	vst v63  }
0x67: {  	_ =	swait.ge [sflag:s22], $0x4000  }
0x68: {  	[sflag:s22] =	ssyncset.done $0x0  }
0x69: {  	s1 =	rddreg [dreg:$0xc];
	[sflag:s22] =	ssyncadd.s32 $0xFFFFC000  }
0x6a: {  	[hbm4b:s1+s2] =	stream.linear.scatter [tilespmem:s15], [sflag:$0x8], $0x4000, $0x38;
	[tilespmem:$0x1C800] =	vst v63  }
0x6b: {  	_ =	swait.ge [sflag:s23], $0x4000  }
0x6c: {  	[sflag:s23] =	ssyncset.done $0x0  }
0x6d: {  	s1 =	rddreg [dreg:$0xd];
	[sflag:s23] =	ssyncadd.s32 $0xFFFFC000  }
0x6e: {  	[hbm4b:s1+s2] =	stream.linear.scatter [tilespmem:s14], [sflag:$0x9], $0x4000, $0x38;
	[tilespmem:$0x1C800] =	vst v63  }
0x6f: {  	_ =	swait.ge [sflag:s21], $0x4000  }
0x70: {  	[sflag:s21] =	ssyncset.done $0x0  }
0x71: {  	s1 =	rddreg [dreg:$0xe];
	[sflag:s21] =	ssyncadd.s32 $0xFFFFC000  }
0x72: {  	[hbm4b:s1+s2] =	stream.linear.scatter [tilespmem:s13], [sflag:$0xA], $0x4000, $0x38;
	[tilespmem:$0x1C800] =	vst v63  }
0x73: {  	_ =	swait.ge [sflag:s20], $0x4000  }
0x74: {  	[sflag:s20] =	ssyncset.done $0x0  }
0x75: {  	s1 =	rddreg [dreg:$0xf];
	[sflag:s20] =	ssyncadd.s32 $0xFFFFC000  }
0x76: {  	[hbm4b:s1+s2] =	stream.linear.scatter [tilespmem:s12], [sflag:$0xB], $0x4000, $0x38;
	[tilespmem:$0x1C800] =	vst v63  }
0x77: {  	_ =	swait.ge [sflag:s17], $0x4000  }
0x78: {  	[sflag:s17] =	ssyncset.done $0x0  }
0x79: {  	s1 =	rddreg [dreg:$0x10];
	[sflag:s17] =	ssyncadd.s32 $0xFFFFC000  }
0x7a: {  	[hbm4b:s1+s2] =	stream.linear.scatter [tilespmem:s11], [sflag:$0xC], $0x4000, $0x38;
	[tilespmem:$0x1C800] =	vst v63  }
0x7b: {  	_ =	swait.ge [sflag:s18], $0x4000  }
0x7c: {  	[sflag:s18] =	ssyncset.done $0x0  }
0x7d: {  	s1 =	rddreg [dreg:$0x11];
	[sflag:s18] =	ssyncadd.s32 $0xFFFFC000  }
0x7e: {  	[hbm4b:s1+s2] =	stream.linear.scatter [tilespmem:s5], [sflag:$0xD], $0x2000, $0x38;
	[tilespmem:$0x1C800] =	vst v63  }
0x7f: {  	_ =	swait.ge [sflag:s19], $0x4000  }
0x80: {  	[sflag:s19] =	ssyncset.done $0x0  }
0x81: {  	[sflag:s19] =	ssyncadd.s32 $0xFFFFC000  }
0x82: {  	_ =	swait.ge [sflag:s4], $0x4000  }
0x83: {  	[sflag:s4] =	ssyncset.done $0x0  }
0x84: {  	[sflag:s4] =	ssyncadd.s32 $0xFFFFC000  }
0x85: {  	_ =	swait.ge [sflag:s6], $0x4000  }
0x86: {  	[sflag:s6] =	ssyncset.done $0x0  }
0x87: {  	[sflag:s6] =	ssyncadd.s32 $0xFFFFC000  }
0x88: {  	_ =	swait.ge [sflag:s7], $0x4000  }
0x89: {  	[sflag:s7] =	ssyncset.done $0x0  }
0x8a: {  	[sflag:s7] =	ssyncadd.s32 $0xFFFFC000  }
0x8b: {  	_ =	swait.ge [sflag:s8], $0x4000  }
0x8c: {  	[sflag:s8] =	ssyncset.done $0x0  }
0x8d: {  	p1 =	sne.s32 s26, $0x1;
	[sflag:s8] =	ssyncadd.s32 $0xFFFFC000  }
.Ltmp1:
0x8e: {  	_ =	swait.ge [sflag:s9], $0x4000;
	(pc) =	sbr.rel @!p1 .LBB2_3-.Ltmp1, $4  }
0x8f: {  	[sflag:s9] =	ssyncset.done $0x0  }
0x90: {  	[sflag:s9] =	ssyncadd.s32 $0xFFFFC000  }
0x91: {  	p0 =	por $0x1, $0x1;
	_ =	swait.ge [sflag:s10], $0x2000  }
0x92: {  	s1 =	sadd.s32 $0xFFFFFFFF, s26;
	s0 =	rddreg [dreg:$0x4];
	[sflag:s10] =	ssyncset.done $0x0  }
.LBB2_4:
0x93: {  	[sflag:s10] =	ssyncadd.s32 $0xFFFFE000  }
0x94: {  	[tilespmem:s2], [sflag:$0xF] =	stream.linear.gather [hbm4b:s0+s2], $0x680, $0x38;
	[tilespmem:$0x1C800] =	vst v63  }
0x95: {  	_ =	swait.ge [sflag:s31], $0x680  }
0x96: {  	[sflag:s31] =	ssyncset.done $0x0  }
0x97: {  	[sflag:s31] =	ssyncadd.s32 $0xFFFFF980  }
0x98: {  	[tilespmem:s15], [sflag:$0x1] =	stream.indirect.gather [hbm4b:s3+s16], $0x80, s2, s16, $0xb8;
	[tilespmem:$0x1C800] =	vst v63  }
0x99: {  	_ = 	snop  }
0x9a: {  	[tilespmem:s14], [sflag:$0x2] =	stream.indirect.gather [hbm4b:s3+s16], $0x80, s16, s16, $0xb8;
	[tilespmem:$0x1C800] =	vst v63  }
0x9b: {  	s0 =	rddreg [dreg:$0x12]  }
0x9c: {  	[tilespmem:s13], [sflag:$0x3] =	stream.indirect.gather [hbm4b:s3+s16], $0x80, s0, s16, $0xb8;
	[tilespmem:$0x1C800] =	vst v63  }
0x9d: {  	s26 =	rddreg [dreg:$0x13]  }
0x9e: {  	[tilespmem:s12], [sflag:$0x4] =	stream.indirect.gather [hbm4b:s3+s16], $0x80, s26, s16, $0xb8;
	[tilespmem:$0x1C800] =	vst v63  }
0x9f: {  	s0 =	rddreg [dreg:$0x14]  }
0xa0: {  	[tilespmem:s11], [sflag:$0x5] =	stream.indirect.gather [hbm4b:s3+s16], $0x80, s0, s16, $0xb8;
	[tilespmem:$0x1C800] =	vst v63  }
0xa1: {  	s26 =	rddreg [dreg:$0x15]  }
0xa2: {  	[tilespmem:s5], [sflag:$0x6] =	stream.indirect.gather [hbm4b:s3+s16], $0x80, s26, s16, $0xb8;
	[tilespmem:$0x1C800] =	vst v63  }
0xa3: {  	s0 =	rddreg [dreg:$0x16]  }
0xa4: {  	[tilespmem:s24], [sflag:$0x7] =	stream.indirect.gather [hbm4b:s3+s16], $0x80, s0, s16, $0xb8;
	[tilespmem:$0x1C800] =	vst v63  }
0xa5: {  	_ =	swait.ge [sflag:s22], $0x4000  }
0xa6: {  	[sflag:s22] =	ssyncset.done $0x0  }
0xa7: {  	s26 =	rddreg [dreg:$0x5];
	[sflag:s22] =	ssyncadd.s32 $0xFFFFC000  }
0xa8: {  	[hbm4b:s26+s2] =	stream.linear.scatter [tilespmem:s15], [sflag:$0x8], $0x4000, $0x38;
	[tilespmem:$0x1C800] =	vst v63  }
0xa9: {  	_ =	swait.ge [sflag:s4], $0x4000  }
0xaa: {  	[sflag:s4] =	ssyncset.done $0x0  }
0xab: {  	s26 =	rddreg [dreg:$0x17];
	[sflag:s4] =	ssyncadd.s32 $0xFFFFC000  }
0xac: {  	[tilespmem:s15], [sflag:$0x1] =	stream.indirect.gather [hbm4b:s3+s16], $0x80, s26, s16, $0xb8;
	[tilespmem:$0x1C800] =	vst v63  }
0xad: {  	_ =	swait.ge [sflag:s23], $0x4000  }
0xae: {  	[sflag:s23] =	ssyncset.done $0x0  }
0xaf: {  	s26 =	rddreg [dreg:$0x6];
	[sflag:s23] =	ssyncadd.s32 $0xFFFFC000  }
0xb0: {  	[hbm4b:s26+s2] =	stream.linear.scatter [tilespmem:s14], [sflag:$0x9], $0x4000, $0x38;
	[tilespmem:$0x1C800] =	vst v63  }
0xb1: {  	_ =	swait.ge [sflag:s6], $0x4000  }
0xb2: {  	[sflag:s6] =	ssyncset.done $0x0  }
0xb3: {  	s26 =	rddreg [dreg:$0x18];
	[sflag:s6] =	ssyncadd.s32 $0xFFFFC000  }
0xb4: {  	[tilespmem:s14], [sflag:$0x2] =	stream.indirect.gather [hbm4b:s3+s16], $0x80, s26, s16, $0xb8;
	[tilespmem:$0x1C800] =	vst v63  }
0xb5: {  	_ =	swait.ge [sflag:s21], $0x4000  }
0xb6: {  	[sflag:s21] =	ssyncset.done $0x0  }
0xb7: {  	s26 =	rddreg [dreg:$0x7];
	[sflag:s21] =	ssyncadd.s32 $0xFFFFC000  }
0xb8: {  	[hbm4b:s26+s2] =	stream.linear.scatter [tilespmem:s13], [sflag:$0xA], $0x4000, $0x38;
	[tilespmem:$0x1C800] =	vst v63  }
0xb9: {  	_ =	swait.ge [sflag:s7], $0x4000  }
0xba: {  	[sflag:s7] =	ssyncset.done $0x0  }
0xbb: {  	s26 =	simm.s32 $0x480;
	[sflag:s7] =	ssyncadd.s32 $0xFFFFC000  }
0xbc: {  	[tilespmem:s13], [sflag:$0x3] =	stream.indirect.gather [hbm4b:s3+s16], $0x80, s26, s16, $0xb8;
	[tilespmem:$0x1C800] =	vst v63  }
0xbd: {  	_ =	swait.ge [sflag:s20], $0x4000  }
0xbe: {  	[sflag:s20] =	ssyncset.done $0x0  }
0xbf: {  	s26 =	rddreg [dreg:$0x8];
	[sflag:s20] =	ssyncadd.s32 $0xFFFFC000  }
0xc0: {  	[hbm4b:s26+s2] =	stream.linear.scatter [tilespmem:s12], [sflag:$0xB], $0x4000, $0x38;
	[tilespmem:$0x1C800] =	vst v63  }
0xc1: {  	_ =	swait.ge [sflag:s8], $0x4000  }
0xc2: {  	[sflag:s8] =	ssyncset.done $0x0  }
0xc3: {  	[sflag:s8] =	ssyncadd.s32 $0xFFFFC000  }
0xc4: {  	[tilespmem:s12], [sflag:$0x4] =	stream.indirect.gather [hbm4b:s3+s16], $0x80, s30, s16, $0xb8;
	[tilespmem:$0x1C800] =	vst v63  }
0xc5: {  	_ =	swait.ge [sflag:s17], $0x4000  }
0xc6: {  	[sflag:s17] =	ssyncset.done $0x0  }
0xc7: {  	s26 =	rddreg [dreg:$0x9];
	[sflag:s17] =	ssyncadd.s32 $0xFFFFC000  }
0xc8: {  	[hbm4b:s26+s2] =	stream.linear.scatter [tilespmem:s11], [sflag:$0xC], $0x4000, $0x38;
	[tilespmem:$0x1C800] =	vst v63  }
0xc9: {  	_ =	swait.ge [sflag:s9], $0x4000  }
0xca: {  	[sflag:s9] =	ssyncset.done $0x0  }
0xcb: {  	[sflag:s9] =	ssyncadd.s32 $0xFFFFC000  }
0xcc: {  	[tilespmem:s11], [sflag:$0x5] =	stream.indirect.gather [hbm4b:s3+s16], $0x80, s29, s16, $0xb8;
	[tilespmem:$0x1C800] =	vst v63  }
0xcd: {  	_ =	swait.ge [sflag:s18], $0x4000  }
0xce: {  	[sflag:s18] =	ssyncset.done $0x0  }
0xcf: {  	s26 =	rddreg [dreg:$0xa];
	[sflag:s18] =	ssyncadd.s32 $0xFFFFC000  }
0xd0: {  	[hbm4b:s26+s2] =	stream.linear.scatter [tilespmem:s5], [sflag:$0xD], $0x4000, $0x38;
	[tilespmem:$0x1C800] =	vst v63  }
0xd1: {  	_ =	swait.ge [sflag:s10], $0x4000  }
0xd2: {  	[sflag:s10] =	ssyncset.done $0x0  }
0xd3: {  	[sflag:s10] =	ssyncadd.s32 $0xFFFFC000  }
0xd4: {  	[tilespmem:s5], [sflag:$0x6] =	stream.indirect.gather [hbm4b:s3+s16], $0x80, s28, s16, $0xb8;
	[tilespmem:$0x1C800] =	vst v63  }
0xd5: {  	_ =	swait.ge [sflag:s25], $0x4000  }
0xd6: {  	[sflag:s25] =	ssyncset.done $0x0  }
0xd7: {  	s26 =	rddreg [dreg:$0xb];
	[sflag:s25] =	ssyncadd.s32 $0xFFFFC000  }
0xd8: {  	[hbm4b:s26+s2] =	stream.linear.scatter [tilespmem:s24], [sflag:$0xE], $0x4000, $0x38;
	[tilespmem:$0x1C800] =	vst v63  }
0xd9: {  	_ =	swait.ge [sflag:s22], $0x4000  }
0xda: {  	[sflag:s22] =	ssyncset.done $0x0  }
0xdb: {  	s26 =	rddreg [dreg:$0xc];
	[sflag:s22] =	ssyncadd.s32 $0xFFFFC000  }
0xdc: {  	[hbm4b:s26+s2] =	stream.linear.scatter [tilespmem:s15], [sflag:$0x8], $0x4000, $0x38;
	[tilespmem:$0x1C800] =	vst v63  }
0xdd: {  	_ =	swait.ge [sflag:s23], $0x4000  }
0xde: {  	[sflag:s23] =	ssyncset.done $0x0  }
0xdf: {  	s26 =	rddreg [dreg:$0xd];
	[sflag:s23] =	ssyncadd.s32 $0xFFFFC000  }
0xe0: {  	[hbm4b:s26+s2] =	stream.linear.scatter [tilespmem:s14], [sflag:$0x9], $0x4000, $0x38;
	[tilespmem:$0x1C800] =	vst v63  }
0xe1: {  	_ =	swait.ge [sflag:s21], $0x4000  }
0xe2: {  	[sflag:s21] =	ssyncset.done $0x0  }
0xe3: {  	s26 =	rddreg [dreg:$0xe];
	[sflag:s21] =	ssyncadd.s32 $0xFFFFC000  }
0xe4: {  	[hbm4b:s26+s2] =	stream.linear.scatter [tilespmem:s13], [sflag:$0xA], $0x4000, $0x38;
	[tilespmem:$0x1C800] =	vst v63  }
0xe5: {  	_ =	swait.ge [sflag:s20], $0x4000  }
0xe6: {  	[sflag:s20] =	ssyncset.done $0x0  }
0xe7: {  	s26 =	rddreg [dreg:$0xf];
	[sflag:s20] =	ssyncadd.s32 $0xFFFFC000  }
0xe8: {  	[hbm4b:s26+s2] =	stream.linear.scatter [tilespmem:s12], [sflag:$0xB], $0x4000, $0x38;
	[tilespmem:$0x1C800] =	vst v63  }
0xe9: {  	_ =	swait.ge [sflag:s17], $0x4000  }
0xea: {  	[sflag:s17] =	ssyncset.done $0x0  }
0xeb: {  	s26 =	rddreg [dreg:$0x10];
	[sflag:s17] =	ssyncadd.s32 $0xFFFFC000  }
0xec: {  	[hbm4b:s26+s2] =	stream.linear.scatter [tilespmem:s11], [sflag:$0xC], $0x4000, $0x38;
	[tilespmem:$0x1C800] =	vst v63  }
0xed: {  	_ =	swait.ge [sflag:s18], $0x4000  }
0xee: {  	[sflag:s18] =	ssyncset.done $0x0  }
0xef: {  	s26 =	rddreg [dreg:$0x11];
	[sflag:s18] =	ssyncadd.s32 $0xFFFFC000  }
0xf0: {  	[hbm4b:s26+s2] =	stream.linear.scatter [tilespmem:s5], [sflag:$0xD], $0x2000, $0x38;
	[tilespmem:$0x1C800] =	vst v63  }
0xf1: {  	_ =	swait.ge [sflag:s19], $0x4000  }
0xf2: {  	[sflag:s19] =	ssyncset.done $0x0  }
0xf3: {  	[sflag:s19] =	ssyncadd.s32 $0xFFFFC000  }
0xf4: {  	_ =	swait.ge [sflag:s4], $0x4000  }
0xf5: {  	[sflag:s4] =	ssyncset.done $0x0  }
0xf6: {  	[sflag:s4] =	ssyncadd.s32 $0xFFFFC000  }
0xf7: {  	_ =	swait.ge [sflag:s6], $0x4000  }
0xf8: {  	[sflag:s6] =	ssyncset.done $0x0  }
0xf9: {  	[sflag:s6] =	ssyncadd.s32 $0xFFFFC000  }
0xfa: {  	_ =	swait.ge [sflag:s7], $0x4000  }
0xfb: {  	[sflag:s7] =	ssyncset.done $0x0  }
0xfc: {  	[sflag:s7] =	ssyncadd.s32 $0xFFFFC000  }
0xfd: {  	_ =	swait.ge [sflag:s8], $0x4000  }
0xfe: {  	[sflag:s8] =	ssyncset.done $0x0  }
0xff: {  	p1 =	sne.s32 s1, $0x1;
	[sflag:s8] =	ssyncadd.s32 $0xFFFFC000  }
.Ltmp2:
0x100: {  	_ =	swait.ge [sflag:s9], $0x4000;
	(pc) =	sbr.rel @p1 .LBB2_4-.Ltmp2, $4  }
0x101: {  	[sflag:s9] =	ssyncset.done $0x0  }
0x102: {  	[sflag:s9] =	ssyncadd.s32 $0xFFFFC000  }
0x103: {  	_ =	swait.ge [sflag:s10], $0x2000  }
0x104: {  	s1 =	sadd.s32 $0xFFFFFFFF, s1;
	s0 =	rddreg [dreg:$0x4];
	[sflag:s10] =	ssyncset.done $0x0  }
0x105: {  	s26 =	simm.s32 $0x480  }
0x106: {  	s30 =	simm.s32 $0x500;
	s29 =	simm.s32 $0x580;
	s28 =	simm.s32 $0x600  }
.LBB2_6:
0x107: {  	[sflag:s10] =	ssyncadd.s32 @p0 $0xFFFFE000  }
0x108: {  	[tilespmem:s2], [sflag:$0xF] =	stream.linear.gather [hbm4b:s0+s2], $0x680, $0x38;
	[tilespmem:$0x1C800] =	vst v63  }
0x109: {  	_ =	swait.ge [sflag:s31], $0x680  }
0x10a: {  	[sflag:s31] =	ssyncset.done $0x0  }
0x10b: {  	[sflag:s31] =	ssyncadd.s32 $0xFFFFF980  }
0x10c: {  	[tilespmem:s15], [sflag:$0x1] =	stream.indirect.gather [hbm4b:s3+s16], $0x80, s2, s16, $0xb8;
	[tilespmem:$0x1C800] =	vst v63  }
0x10d: {  	_ = 	snop  }
0x10e: {  	[tilespmem:s14], [sflag:$0x2] =	stream.indirect.gather [hbm4b:s3+s16], $0x80, s16, s16, $0xb8;
	[tilespmem:$0x1C800] =	vst v63  }
0x10f: {  	s31 =	rddreg [dreg:$0x12]  }
0x110: {  	[tilespmem:s13], [sflag:$0x3] =	stream.indirect.gather [hbm4b:s3+s16], $0x80, s31, s16, $0xb8;
	[tilespmem:$0x1C800] =	vst v63  }
0x111: {  	s1 =	rddreg [dreg:$0x13]  }
0x112: {  	[tilespmem:s12], [sflag:$0x4] =	stream.indirect.gather [hbm4b:s3+s16], $0x80, s1, s16, $0xb8;
	[tilespmem:$0x1C800] =	vst v63  }
0x113: {  	s31 =	rddreg [dreg:$0x14]  }
0x114: {  	[tilespmem:s11], [sflag:$0x5] =	stream.indirect.gather [hbm4b:s3+s16], $0x80, s31, s16, $0xb8;
	[tilespmem:$0x1C800] =	vst v63  }
0x115: {  	s1 =	rddreg [dreg:$0x15]  }
0x116: {  	[tilespmem:s5], [sflag:$0x6] =	stream.indirect.gather [hbm4b:s3+s16], $0x80, s1, s16, $0xb8;
	[tilespmem:$0x1C800] =	vst v63  }
0x117: {  	s31 =	rddreg [dreg:$0x16]  }
0x118: {  	[tilespmem:s24], [sflag:$0x7] =	stream.indirect.gather [hbm4b:s3+s16], $0x80, s31, s16, $0xb8;
	[tilespmem:$0x1C800] =	vst v63  }
0x119: {  	_ =	swait.ge [sflag:s22], $0x4000  }
0x11a: {  	[sflag:s22] =	ssyncset.done $0x0  }
0x11b: {  	s1 =	rddreg [dreg:$0x5];
	[sflag:s22] =	ssyncadd.s32 $0xFFFFC000  }
0x11c: {  	[hbm4b:s1+s2] =	stream.linear.scatter [tilespmem:s15], [sflag:$0x8], $0x4000, $0x38;
	[tilespmem:$0x1C800] =	vst v63  }
0x11d: {  	_ =	swait.ge [sflag:s4], $0x4000  }
0x11e: {  	[sflag:s4] =	ssyncset.done $0x0  }
0x11f: {  	s31 =	rddreg [dreg:$0x17];
	[sflag:s4] =	ssyncadd.s32 $0xFFFFC000  }
0x120: {  	[tilespmem:s15], [sflag:$0x1] =	stream.indirect.gather [hbm4b:s3+s16], $0x80, s31, s16, $0xb8;
	[tilespmem:$0x1C800] =	vst v63  }
0x121: {  	_ =	swait.ge [sflag:s23], $0x4000  }
0x122: {  	[sflag:s23] =	ssyncset.done $0x0  }
0x123: {  	s1 =	rddreg [dreg:$0x6];
	[sflag:s23] =	ssyncadd.s32 $0xFFFFC000  }
0x124: {  	[hbm4b:s1+s2] =	stream.linear.scatter [tilespmem:s14], [sflag:$0x9], $0x4000, $0x38;
	[tilespmem:$0x1C800] =	vst v63  }
0x125: {  	_ =	swait.ge [sflag:s6], $0x4000  }
0x126: {  	[sflag:s6] =	ssyncset.done $0x0  }
0x127: {  	s31 =	rddreg [dreg:$0x18];
	[sflag:s6] =	ssyncadd.s32 $0xFFFFC000  }
0x128: {  	[tilespmem:s14], [sflag:$0x2] =	stream.indirect.gather [hbm4b:s3+s16], $0x80, s31, s16, $0xb8;
	[tilespmem:$0x1C800] =	vst v63  }
0x129: {  	_ =	swait.ge [sflag:s21], $0x4000  }
0x12a: {  	[sflag:s21] =	ssyncset.done $0x0  }
0x12b: {  	s1 =	rddreg [dreg:$0x7];
	[sflag:s21] =	ssyncadd.s32 $0xFFFFC000  }
0x12c: {  	[hbm4b:s1+s2] =	stream.linear.scatter [tilespmem:s13], [sflag:$0xA], $0x4000, $0x38;
	[tilespmem:$0x1C800] =	vst v63  }
0x12d: {  	_ =	swait.ge [sflag:s7], $0x4000  }
0x12e: {  	[sflag:s7] =	ssyncset.done $0x0  }
0x12f: {  	[sflag:s7] =	ssyncadd.s32 $0xFFFFC000  }
0x130: {  	[tilespmem:s13], [sflag:$0x3] =	stream.indirect.gather [hbm4b:s3+s16], $0x80, s26, s16, $0xb8;
	[tilespmem:$0x1C800] =	vst v63  }
0x131: {  	_ =	swait.ge [sflag:s20], $0x4000  }
0x132: {  	[sflag:s20] =	ssyncset.done $0x0  }
0x133: {  	s26 =	rddreg [dreg:$0x8];
	[sflag:s20] =	ssyncadd.s32 $0xFFFFC000  }
0x134: {  	[hbm4b:s26+s2] =	stream.linear.scatter [tilespmem:s12], [sflag:$0xB], $0x4000, $0x38;
	[tilespmem:$0x1C800] =	vst v63  }
0x135: {  	_ =	swait.ge [sflag:s8], $0x4000  }
0x136: {  	[sflag:s8] =	ssyncset.done $0x0  }
0x137: {  	[sflag:s8] =	ssyncadd.s32 $0xFFFFC000  }
0x138: {  	[tilespmem:s12], [sflag:$0x4] =	stream.indirect.gather [hbm4b:s3+s16], $0x80, s30, s16, $0xb8;
	[tilespmem:$0x1C800] =	vst v63  }
0x139: {  	_ =	swait.ge [sflag:s17], $0x4000  }
0x13a: {  	[sflag:s17] =	ssyncset.done $0x0  }
0x13b: {  	s31 =	rddreg [dreg:$0x9];
	[sflag:s17] =	ssyncadd.s32 $0xFFFFC000  }
0x13c: {  	[hbm4b:s31+s2] =	stream.linear.scatter [tilespmem:s11], [sflag:$0xC], $0x4000, $0x38;
	[tilespmem:$0x1C800] =	vst v63  }
0x13d: {  	_ =	swait.ge [sflag:s9], $0x4000  }
0x13e: {  	[sflag:s9] =	ssyncset.done $0x0  }
0x13f: {  	[sflag:s9] =	ssyncadd.s32 $0xFFFFC000  }
0x140: {  	[tilespmem:s11], [sflag:$0x5] =	stream.indirect.gather [hbm4b:s3+s16], $0x80, s29, s16, $0xb8;
	[tilespmem:$0x1C800] =	vst v63  }
0x141: {  	_ =	swait.ge [sflag:s18], $0x4000  }
0x142: {  	[sflag:s18] =	ssyncset.done $0x0  }
0x143: {  	s1 =	rddreg [dreg:$0xa];
	[sflag:s18] =	ssyncadd.s32 $0xFFFFC000  }
0x144: {  	[hbm4b:s1+s2] =	stream.linear.scatter [tilespmem:s5], [sflag:$0xD], $0x4000, $0x38;
	[tilespmem:$0x1C800] =	vst v63  }
0x145: {  	_ =	swait.ge [sflag:s10], $0x4000  }
0x146: {  	[sflag:s10] =	ssyncset.done $0x0  }
0x147: {  	[sflag:s10] =	ssyncadd.s32 $0xFFFFC000  }
0x148: {  	[tilespmem:s5], [sflag:$0x6] =	stream.indirect.gather [hbm4b:s3+s16], $0x80, s28, s16, $0xb8;
	[tilespmem:$0x1C800] =	vst v63  }
0x149: {  	_ =	swait.ge [sflag:s25], $0x4000  }
0x14a: {  	[sflag:s25] =	ssyncset.done $0x0  }
0x14b: {  	s16 =	rddreg [dreg:$0xb];
	[sflag:s25] =	ssyncadd.s32 $0xFFFFC000  }
0x14c: {  	[hbm4b:s16+s2] =	stream.linear.scatter [tilespmem:s24], [sflag:$0xE], $0x4000, $0x38;
	[tilespmem:$0x1C800] =	vst v63  }
0x14d: {  	_ =	swait.ge [sflag:s22], $0x4000  }
0x14e: {  	[sflag:s22] =	ssyncset.done $0x0  }
0x14f: {  	s24 =	rddreg [dreg:$0xc];
	[sflag:s22] =	ssyncadd.s32 $0xFFFFC000  }
0x150: {  	[hbm4b:s24+s2] =	stream.linear.scatter [tilespmem:s15], [sflag:$0x8], $0x4000, $0x38;
	[tilespmem:$0x1C800] =	vst v63  }
0x151: {  	_ =	swait.ge [sflag:s23], $0x4000  }
0x152: {  	[sflag:s23] =	ssyncset.done $0x0  }
0x153: {  	s25 =	rddreg [dreg:$0xd];
	[sflag:s23] =	ssyncadd.s32 $0xFFFFC000  }
0x154: {  	[hbm4b:s25+s2] =	stream.linear.scatter [tilespmem:s14], [sflag:$0x9], $0x4000, $0x38;
	[tilespmem:$0x1C800] =	vst v63  }
0x155: {  	_ =	swait.ge [sflag:s21], $0x4000  }
0x156: {  	[sflag:s21] =	ssyncset.done $0x0  }
0x157: {  	s26 =	rddreg [dreg:$0xe];
	[sflag:s21] =	ssyncadd.s32 $0xFFFFC000  }
0x158: {  	[hbm4b:s26+s2] =	stream.linear.scatter [tilespmem:s13], [sflag:$0xA], $0x4000, $0x38;
	[tilespmem:$0x1C800] =	vst v63  }
0x159: {  	_ =	swait.ge [sflag:s20], $0x4000  }
0x15a: {  	[sflag:s20] =	ssyncset.done $0x0  }
0x15b: {  	s28 =	rddreg [dreg:$0xf];
	[sflag:s20] =	ssyncadd.s32 $0xFFFFC000  }
0x15c: {  	[hbm4b:s28+s2] =	stream.linear.scatter [tilespmem:s12], [sflag:$0xB], $0x4000, $0x38;
	[tilespmem:$0x1C800] =	vst v63  }
0x15d: {  	_ =	swait.ge [sflag:s17], $0x4000  }
0x15e: {  	[sflag:s17] =	ssyncset.done $0x0  }
0x15f: {  	s29 =	rddreg [dreg:$0x10];
	[sflag:s17] =	ssyncadd.s32 $0xFFFFC000  }
0x160: {  	[hbm4b:s29+s2] =	stream.linear.scatter [tilespmem:s11], [sflag:$0xC], $0x4000, $0x38;
	[tilespmem:$0x1C800] =	vst v63  }
0x161: {  	_ =	swait.ge [sflag:s18], $0x4000  }
0x162: {  	[sflag:s18] =	ssyncset.done $0x0  }
0x163: {  	s30 =	rddreg [dreg:$0x11];
	[sflag:s18] =	ssyncadd.s32 $0xFFFFC000  }
0x164: {  	[hbm4b:s30+s2] =	stream.linear.scatter [tilespmem:s5], [sflag:$0xD], $0x2000, $0x38;
	[tilespmem:$0x1C800] =	vst v63  }
0x165: {  	_ =	swait.ge [sflag:s19], $0x4000  }
0x166: {  	[sflag:s19] =	ssyncset.done $0x0  }
0x167: {  	[sflag:s19] =	ssyncadd.s32 $0xFFFFC000  }
0x168: {  	_ =	swait.ge [sflag:s4], $0x4000  }
0x169: {  	[sflag:s4] =	ssyncset.done $0x0  }
0x16a: {  	[sflag:s4] =	ssyncadd.s32 $0xFFFFC000  }
0x16b: {  	_ =	swait.ge [sflag:s6], $0x4000  }
0x16c: {  	[sflag:s6] =	ssyncset.done $0x0  }
0x16d: {  	[sflag:s6] =	ssyncadd.s32 $0xFFFFC000  }
0x16e: {  	_ =	swait.ge [sflag:s7], $0x4000  }
0x16f: {  	[sflag:s7] =	ssyncset.done $0x0  }
0x170: {  	[sflag:s7] =	ssyncadd.s32 $0xFFFFC000  }
0x171: {  	_ =	swait.ge [sflag:s8], $0x4000  }
0x172: {  	[sflag:s8] =	ssyncset.done $0x0  }
0x173: {  	[sflag:s8] =	ssyncadd.s32 $0xFFFFC000  }
0x174: {  	_ =	swait.ge [sflag:s9], $0x4000  }
0x175: {  	[sflag:s9] =	ssyncset.done $0x0  }
0x176: {  	[sflag:s9] =	ssyncadd.s32 $0xFFFFC000  }
0x177: {  	_ =	swait.ge [sflag:s10], $0x2000  }
0x178: {  	[sflag:s10] =	ssyncset.done $0x0  }
0x179: {  	[sflag:s10] =	ssyncadd.s32 $0xFFFFE000  }
0x17a: {  	_ =	sfence.sel $0x180000  }
0x17b: {  	[bflag:$0x0] =	sbarrier.arrive $0xFFFF  }
0x17c: {  	_ =	strace $0x90000047  }
0x17d: {  	s31 =	stileid.u32;
	[bflag:$0x2] =	sbarrier.arrive $0xFFFF  }
0x17e: {  	p0 =	sne.s32 s31, $0x0;
	s0 =	rddreg [dreg:$0x3]  }
0x17f: {  	s0 =	sadd.s32 @!p0 $0x100000, s0  }
0x180: {  	[sflag:s0] =	ssyncadd.tile.s32 @!p0 $0x1;
	_ =	shalt  }
.LBB2_1:
.Ltmp3:
0x181: {  	(pc) =	sbr.rel .LBB2_6-.Ltmp3, $3  }
0x182: {  	_ =	sdelay $0x1  }
0x183: {  	s26 =	simm.s32 $0x480  }
0x184: {  	s30 =	simm.s32 $0x500;
	s29 =	simm.s32 $0x580;
	s28 =	simm.s32 $0x600  }
.LBB2_3:
.Ltmp4:
0x185: {  	(pc) =	sbr.rel .LBB2_6-.Ltmp4, $3  }
0x186: {  	_ =	sdelay $0x1  }
0x187: {  	s26 =	simm.s32 $0x480  }
0x188: {  	s30 =	simm.s32 $0x500;
	s29 =	simm.s32 $0x580;
	s28 =	simm.s32 $0x600  }
.Lfunc_end2:
_tile_overlayer_lowered:
.L_overlay_start_2:
0x189: {  	(tag) =	ssettag $0x2  }
0x18a: {  	s0 =	rddreg [dreg:$0x0];
	s2 =	stileid.u32  }
0x18b: {  	s1 =	rddreg [dreg:$0x1];
	p0 =	sne.s32 s2, $0x0  }
0x18c: {  	s3 =	rddreg [dreg:$0x2];
	[bflag:$0x3] =	sbarrier.arrive $0xFFFF;
	s2 =	simm.s32 @!p0 $0x1C0F  }
0x18d: {  	[timem:s3], [sflag:s2] =	dma.local @!p0 [hbm:s0], s1  }
0x18e: {  	s0 =	simm.s32 @!p0 $0xF  }
0x18f: {  	_ =	swait.ge @!p0 [sflag:s0], s1  }
0x190: {  	s1 =	ssub.s32 @!p0 $0x0, s1;
	[sflag:s0] =	ssyncset.done @!p0 $0x0  }
0x191: {  	[sflag:s0] =	ssyncadd.s32 @!p0 s1  }
0x192: {  	[bflag:$0x3] =	sbarrier.arrive $0xFFFF  }
0x193: {  	_ =	shalt  }

</sc_bundles>
